<compile_context>
chip_gen: v7x
topology: tpu7x:2x2x1
jax: 0.10.2.dev20260603
libtpu: 0.0.44.dev20260713+nightly
codegen_flags: <defaults>
</compile_context>

<pallas_src>
import jax
import jax.numpy as jnp
from jax import lax
from jax.experimental import pallas as pl
from jax.experimental.pallas import tpu as pltpu
from jax.experimental.pallas import tpu_sc as plsc

BATCH = 16384
DIM = 16

_NC = 2
_NS = 16
_NW = _NC * _NS
_ROWS_PER_W = BATCH // _NW
_CHUNK = 128
_NCHUNK = _ROWS_PER_W // _CHUNK
_NGROUP = _ROWS_PER_W // 16


def _tt_body(x_hbm, y_hbm, art_hbm, cust_hbm, out_hbm,
             xidx, yidx, xrows, yrows, out_v, sem):
    wid = lax.axis_index("s") * _NC + lax.axis_index("c")
    base = wid * _ROWS_PER_W

    idx_copies = []
    for j in range(_NCHUNK):
        src = pl.ds(base + j * _CHUNK, _CHUNK)
        idx_copies.append(pltpu.make_async_copy(x_hbm.at[src], xidx.at[j], sem))
        idx_copies.append(pltpu.make_async_copy(y_hbm.at[src], yidx.at[j], sem))
    for c in idx_copies:
        c.start()
    for c in idx_copies:
        c.wait()

    row_copies = []
    for j in range(_NCHUNK):
        dst = pl.ds(j * _CHUNK, _CHUNK)
        row_copies.append(
            pltpu.make_async_copy(cust_hbm.at[xidx.at[j]], xrows.at[dst], sem))
        row_copies.append(
            pltpu.make_async_copy(art_hbm.at[yidx.at[j]], yrows.at[dst], sem))
    for c in row_copies:
        c.start()
    for c in row_copies:
        c.wait()

    iota = lax.iota(jnp.int32, 16)

    def group(g, carry):
        rows = g * 16 + iota
        acc = jnp.zeros((16,), jnp.float32)
        for d in range(DIM):
            cols = lax.bitwise_and(iota + d, 15)
            xa = plsc.load_gather(xrows, [rows, cols])
            ya = plsc.load_gather(yrows, [rows, cols])
            acc = acc + xa * ya
        out_v[pl.ds(g * 16, 16)] = acc
        return carry

    lax.fori_loop(0, _NGROUP, group, None)

    pltpu.sync_copy(out_v, out_hbm.at[pl.ds(base, _ROWS_PER_W)])


def kernel(x, y, article_table, customer_table):
    x = x.astype(jnp.int32)
    y = y.astype(jnp.int32)
    mesh = plsc.VectorSubcoreMesh(
        core_axis_name="c", subcore_axis_name="s",
        num_cores=_NC, num_subcores=_NS)
    run = pl.kernel(
        _tt_body,
        out_type=jax.ShapeDtypeStruct((BATCH,), jnp.float32),
        mesh=mesh,
        scratch_types=[
            pltpu.VMEM((_NCHUNK, _CHUNK), jnp.int32),
            pltpu.VMEM((_NCHUNK, _CHUNK), jnp.int32),
            pltpu.VMEM((_ROWS_PER_W, DIM), jnp.float32),
            pltpu.VMEM((_ROWS_PER_W, DIM), jnp.float32),
            pltpu.VMEM((_ROWS_PER_W,), jnp.float32),
            pltpu.SemaphoreType.DMA,
        ],
        compiler_params=pltpu.CompilerParams(
            needs_layout_passes=False, use_tc_tiling_on_sc=False),
    )
    return run(x, y, article_table, customer_table)

# --- scband reference (transcript-rebuilt; emitter-appended) ---
"""Pipeline reference for scband-two-tower-44298292691577 (READ-ONLY COPY).

The authoritative reference and input builder live on the scoring server;
editing this copy changes nothing except your own understanding.
"""

import jax, jax.numpy as jnp
import numpy as np

BATCH = 16384
ARTICLE_VOCAB = 1000000
CUSTOMER_VOCAB = 1000000
DIM = 16


def setup_inputs(seed: int = 0) -> dict:
    key = jax.random.key(seed)
    k1, k2, k3, k4 = jax.random.split(key, 4)
    x = jax.random.randint(k1, (BATCH,), 0, CUSTOMER_VOCAB, dtype=jnp.int64) if jax.config.jax_enable_x64 else jax.random.randint(k1, (BATCH,), 0, CUSTOMER_VOCAB, dtype=jnp.int32)
    y = jax.random.randint(k2, (BATCH,), 0, ARTICLE_VOCAB, dtype=jnp.int32)
    # learned parameters: embedding tables (nn.Embedding default init ~ N(0,1))
    article_table = jax.random.normal(k3, (ARTICLE_VOCAB, DIM), dtype=jnp.float32)
    customer_table = jax.random.normal(k4, (CUSTOMER_VOCAB, DIM), dtype=jnp.float32)
    return {"x": x, "y": y, "article_table": article_table, "customer_table": customer_table}


def reference(x, y, article_table, customer_table):
    # x = self.cfc1(x); y = self.afc1(y)
    xe = jnp.take(customer_table, x, axis=0)   # [B, D]
    ye = jnp.take(article_table, y, axis=0)    # [B, D]
    # torch.matmul(x, y.T).diag() == row-wise dot product (mathematically identical,
    # avoids materializing the [B, B] matrix)
    return jnp.einsum("bd,bd->b", xe, ye)

if __name__ == "__main__":
    import jax
    _d = setup_inputs()
    print(jax.jit(kernel)(*tuple(_d.values())))

</pallas_src>

<mosaic_0001>
#map = affine_map<(d0, d1) -> (0)>
#map1 = affine_map<(d0, d1) -> (0, 0)>
module attributes {stable_mosaic.version = 14 : i64} {
  func.func @_tt_body(%arg0: i32, %arg1: i32, %arg2: memref<16384xi32, #tpu.memory_space<hbm>>, %arg3: memref<16384xi32, #tpu.memory_space<hbm>>, %arg4: memref<1000000x16xf32, #tpu.memory_space<hbm>>, %arg5: memref<1000000x16xf32, #tpu.memory_space<hbm>>, %arg6: memref<16384xf32, #tpu.memory_space<hbm>>, %arg7: memref<4x128xi32, #tpu.memory_space<vmem>>, %arg8: memref<4x128xi32, #tpu.memory_space<vmem>>, %arg9: memref<512x16xf32, #tpu.memory_space<vmem>>, %arg10: memref<512x16xf32, #tpu.memory_space<vmem>>, %arg11: memref<512xf32, #tpu.memory_space<vmem>>, %arg12: memref<!tpu.dma_semaphore, #tpu.memory_space<semaphore_mem>>) attributes {dimension_semantics = [#tpu.dimension_semantics<core_parallel>, #tpu.dimension_semantics<subcore_parallel>], iteration_bounds = array<i64: 2, 16>, scalar_prefetch = 0 : i64, scratch_operands = 6 : i64, tpu.core_type = #tpu.core_type<sc_vector_subcore>, window_params = [{transform_indices = #map}, {transform_indices = #map}, {transform_indices = #map1}, {transform_indices = #map1}, {transform_indices = #map}]} {
    %mul3A = arith.constant 2 : i32
    %mul3A_0 = arith.muli %arg1, %mul3A : i32
    %add3A = arith.addi %mul3A_0, %arg0 : i32
    %mul3A_1 = arith.constant 512 : i32
    %mul3A_2 = arith.muli %add3A, %mul3A_1 : i32
    %add3A_3 = arith.constant 0 : i32
    %add3A_4 = arith.addi %mul3A_2, %add3A_3 : i32
    %add3A_5 = arith.constant 128 : i32
    %add3A_6 = arith.addi %mul3A_2, %add3A_5 : i32
    %add3A_7 = arith.constant 256 : i32
    %add3A_8 = arith.addi %mul3A_2, %add3A_7 : i32
    %add3A_9 = arith.constant 384 : i32
    %add3A_10 = arith.addi %mul3A_2, %add3A_9 : i32
    %dma_start3A = arith.constant 0 : i32
    %dma_start3A_11 = arith.constant 0 : i32
    %dma_start3A_12 = tpu.memref_slice %arg7[%dma_start3A, %dma_start3A_11] : memref<4x128xi32, #tpu.memory_space<vmem>> -> memref<1x128xi32, #tpu.memory_space<vmem>>
    %dma_start3A_13 = tpu.memref_squeeze %dma_start3A_12 : memref<1x128xi32, #tpu.memory_space<vmem>> -> memref<128xi32, #tpu.memory_space<vmem>>
    %dma_start3A_14 = tpu.memref_slice %arg2[%add3A_4] : memref<16384xi32, #tpu.memory_space<hbm>> -> memref<128xi32, #tpu.memory_space<hbm>>
    %dma_start3A_15 = arith.constant 0 : i32
    %dma_start3A_16 = tpu.memref_slice %arg7[%dma_start3A, %dma_start3A_15] : memref<4x128xi32, #tpu.memory_space<vmem>> -> memref<1x128xi32, #tpu.memory_space<vmem>>
    %dma_start3A_17 = tpu.memref_squeeze %dma_start3A_16 : memref<1x128xi32, #tpu.memory_space<vmem>> -> memref<128xi32, #tpu.memory_space<vmem>>
    %dma_start3A_18 = tpu.memref_slice %arg2[%add3A_4] : memref<16384xi32, #tpu.memory_space<hbm>> -> memref<128xi32, #tpu.memory_space<hbm>>
    tpu.enqueue_dma source(%dma_start3A_18 : memref<128xi32, #tpu.memory_space<hbm>>) target(%dma_start3A_17 : memref<128xi32, #tpu.memory_space<vmem>>) target_semaphore(%arg12 : memref<!tpu.dma_semaphore, #tpu.memory_space<semaphore_mem>>)
    %dma_start3A_19 = arith.constant 0 : i32
    %dma_start3A_20 = arith.constant 0 : i32
    %dma_start3A_21 = tpu.memref_slice %arg8[%dma_start3A_19, %dma_start3A_20] : memref<4x128xi32, #tpu.memory_space<vmem>> -> memref<1x128xi32, #tpu.memory_space<vmem>>
    %dma_start3A_22 = tpu.memref_squeeze %dma_start3A_21 : memref<1x128xi32, #tpu.memory_space<vmem>> -> memref<128xi32, #tpu.memory_space<vmem>>
    %dma_start3A_23 = tpu.memref_slice %arg3[%add3A_4] : memref<16384xi32, #tpu.memory_space<hbm>> -> memref<128xi32, #tpu.memory_space<hbm>>
    %dma_start3A_24 = arith.constant 0 : i32
    %dma_start3A_25 = tpu.memref_slice %arg8[%dma_start3A_19, %dma_start3A_24] : memref<4x128xi32, #tpu.memory_space<vmem>> -> memref<1x128xi32, #tpu.memory_space<vmem>>
    %dma_start3A_26 = tpu.memref_squeeze %dma_start3A_25 : memref<1x128xi32, #tpu.memory_space<vmem>> -> memref<128xi32, #tpu.memory_space<vmem>>
    %dma_start3A_27 = tpu.memref_slice %arg3[%add3A_4] : memref<16384xi32, #tpu.memory_space<hbm>> -> memref<128xi32, #tpu.memory_space<hbm>>
    tpu.enqueue_dma source(%dma_start3A_27 : memref<128xi32, #tpu.memory_space<hbm>>) target(%dma_start3A_26 : memref<128xi32, #tpu.memory_space<vmem>>) target_semaphore(%arg12 : memref<!tpu.dma_semaphore, #tpu.memory_space<semaphore_mem>>)
    %dma_start3A_28 = arith.constant 1 : i32
    %dma_start3A_29 = arith.constant 0 : i32
    %dma_start3A_30 = tpu.memref_slice %arg7[%dma_start3A_28, %dma_start3A_29] : memref<4x128xi32, #tpu.memory_space<vmem>> -> memref<1x128xi32, #tpu.memory_space<vmem>>
    %dma_start3A_31 = tpu.memref_squeeze %dma_start3A_30 : memref<1x128xi32, #tpu.memory_space<vmem>> -> memref<128xi32, #tpu.memory_space<vmem>>
    %dma_start3A_32 = tpu.memref_slice %arg2[%add3A_6] : memref<16384xi32, #tpu.memory_space<hbm>> -> memref<128xi32, #tpu.memory_space<hbm>>
    %dma_start3A_33 = arith.constant 0 : i32
    %dma_start3A_34 = tpu.memref_slice %arg7[%dma_start3A_28, %dma_start3A_33] : memref<4x128xi32, #tpu.memory_space<vmem>> -> memref<1x128xi32, #tpu.memory_space<vmem>>
    %dma_start3A_35 = tpu.memref_squeeze %dma_start3A_34 : memref<1x128xi32, #tpu.memory_space<vmem>> -> memref<128xi32, #tpu.memory_space<vmem>>
    %dma_start3A_36 = tpu.memref_slice %arg2[%add3A_6] : memref<16384xi32, #tpu.memory_space<hbm>> -> memref<128xi32, #tpu.memory_space<hbm>>
    tpu.enqueue_dma source(%dma_start3A_36 : memref<128xi32, #tpu.memory_space<hbm>>) target(%dma_start3A_35 : memref<128xi32, #tpu.memory_space<vmem>>) target_semaphore(%arg12 : memref<!tpu.dma_semaphore, #tpu.memory_space<semaphore_mem>>)
    %dma_start3A_37 = arith.constant 1 : i32
    %dma_start3A_38 = arith.constant 0 : i32
    %dma_start3A_39 = tpu.memref_slice %arg8[%dma_start3A_37, %dma_start3A_38] : memref<4x128xi32, #tpu.memory_space<vmem>> -> memref<1x128xi32, #tpu.memory_space<vmem>>
    %dma_start3A_40 = tpu.memref_squeeze %dma_start3A_39 : memref<1x128xi32, #tpu.memory_space<vmem>> -> memref<128xi32, #tpu.memory_space<vmem>>
    %dma_start3A_41 = tpu.memref_slice %arg3[%add3A_6] : memref<16384xi32, #tpu.memory_space<hbm>> -> memref<128xi32, #tpu.memory_space<hbm>>
    %dma_start3A_42 = arith.constant 0 : i32
    %dma_start3A_43 = tpu.memref_slice %arg8[%dma_start3A_37, %dma_start3A_42] : memref<4x128xi32, #tpu.memory_space<vmem>> -> memref<1x128xi32, #tpu.memory_space<vmem>>
    %dma_start3A_44 = tpu.memref_squeeze %dma_start3A_43 : memref<1x128xi32, #tpu.memory_space<vmem>> -> memref<128xi32, #tpu.memory_space<vmem>>
    %dma_start3A_45 = tpu.memref_slice %arg3[%add3A_6] : memref<16384xi32, #tpu.memory_space<hbm>> -> memref<128xi32, #tpu.memory_space<hbm>>
    tpu.enqueue_dma source(%dma_start3A_45 : memref<128xi32, #tpu.memory_space<hbm>>) target(%dma_start3A_44 : memref<128xi32, #tpu.memory_space<vmem>>) target_semaphore(%arg12 : memref<!tpu.dma_semaphore, #tpu.memory_space<semaphore_mem>>)
    %dma_start3A_46 = arith.constant 2 : i32
    %dma_start3A_47 = arith.constant 0 : i32
    %dma_start3A_48 = tpu.memref_slice %arg7[%dma_start3A_46, %dma_start3A_47] : memref<4x128xi32, #tpu.memory_space<vmem>> -> memref<1x128xi32, #tpu.memory_space<vmem>>
    %dma_start3A_49 = tpu.memref_squeeze %dma_start3A_48 : memref<1x128xi32, #tpu.memory_space<vmem>> -> memref<128xi32, #tpu.memory_space<vmem>>
    %dma_start3A_50 = tpu.memref_slice %arg2[%add3A_8] : memref<16384xi32, #tpu.memory_space<hbm>> -> memref<128xi32, #tpu.memory_space<hbm>>
    %dma_start3A_51 = arith.constant 0 : i32
    %dma_start3A_52 = tpu.memref_slice %arg7[%dma_start3A_46, %dma_start3A_51] : memref<4x128xi32, #tpu.memory_space<vmem>> -> memref<1x128xi32, #tpu.memory_space<vmem>>
    %dma_start3A_53 = tpu.memref_squeeze %dma_start3A_52 : memref<1x128xi32, #tpu.memory_space<vmem>> -> memref<128xi32, #tpu.memory_space<vmem>>
    %dma_start3A_54 = tpu.memref_slice %arg2[%add3A_8] : memref<16384xi32, #tpu.memory_space<hbm>> -> memref<128xi32, #tpu.memory_space<hbm>>
    tpu.enqueue_dma source(%dma_start3A_54 : memref<128xi32, #tpu.memory_space<hbm>>) target(%dma_start3A_53 : memref<128xi32, #tpu.memory_space<vmem>>) target_semaphore(%arg12 : memref<!tpu.dma_semaphore, #tpu.memory_space<semaphore_mem>>)
    %dma_start3A_55 = arith.constant 2 : i32
    %dma_start3A_56 = arith.constant 0 : i32
    %dma_start3A_57 = tpu.memref_slice %arg8[%dma_start3A_55, %dma_start3A_56] : memref<4x128xi32, #tpu.memory_space<vmem>> -> memref<1x128xi32, #tpu.memory_space<vmem>>
    %dma_start3A_58 = tpu.memref_squeeze %dma_start3A_57 : memref<1x128xi32, #tpu.memory_space<vmem>> -> memref<128xi32, #tpu.memory_space<vmem>>
    %dma_start3A_59 = tpu.memref_slice %arg3[%add3A_8] : memref<16384xi32, #tpu.memory_space<hbm>> -> memref<128xi32, #tpu.memory_space<hbm>>
    %dma_start3A_60 = arith.constant 0 : i32
    %dma_start3A_61 = tpu.memref_slice %arg8[%dma_start3A_55, %dma_start3A_60] : memref<4x128xi32, #tpu.memory_space<vmem>> -> memref<1x128xi32, #tpu.memory_space<vmem>>
    %dma_start3A_62 = tpu.memref_squeeze %dma_start3A_61 : memref<1x128xi32, #tpu.memory_space<vmem>> -> memref<128xi32, #tpu.memory_space<vmem>>
    %dma_start3A_63 = tpu.memref_slice %arg3[%add3A_8] : memref<16384xi32, #tpu.memory_space<hbm>> -> memref<128xi32, #tpu.memory_space<hbm>>
    tpu.enqueue_dma source(%dma_start3A_63 : memref<128xi32, #tpu.memory_space<hbm>>) target(%dma_start3A_62 : memref<128xi32, #tpu.memory_space<vmem>>) target_semaphore(%arg12 : memref<!tpu.dma_semaphore, #tpu.memory_space<semaphore_mem>>)
    %dma_start3A_64 = arith.constant 3 : i32
    %dma_start3A_65 = arith.constant 0 : i32
    %dma_start3A_66 = tpu.memref_slice %arg7[%dma_start3A_64, %dma_start3A_65] : memref<4x128xi32, #tpu.memory_space<vmem>> -> memref<1x128xi32, #tpu.memory_space<vmem>>
    %dma_start3A_67 = tpu.memref_squeeze %dma_start3A_66 : memref<1x128xi32, #tpu.memory_space<vmem>> -> memref<128xi32, #tpu.memory_space<vmem>>
    %dma_start3A_68 = tpu.memref_slice %arg2[%add3A_10] : memref<16384xi32, #tpu.memory_space<hbm>> -> memref<128xi32, #tpu.memory_space<hbm>>
    %dma_start3A_69 = arith.constant 0 : i32
    %dma_start3A_70 = tpu.memref_slice %arg7[%dma_start3A_64, %dma_start3A_69] : memref<4x128xi32, #tpu.memory_space<vmem>> -> memref<1x128xi32, #tpu.memory_space<vmem>>
    %dma_start3A_71 = tpu.memref_squeeze %dma_start3A_70 : memref<1x128xi32, #tpu.memory_space<vmem>> -> memref<128xi32, #tpu.memory_space<vmem>>
    %dma_start3A_72 = tpu.memref_slice %arg2[%add3A_10] : memref<16384xi32, #tpu.memory_space<hbm>> -> memref<128xi32, #tpu.memory_space<hbm>>
    tpu.enqueue_dma source(%dma_start3A_72 : memref<128xi32, #tpu.memory_space<hbm>>) target(%dma_start3A_71 : memref<128xi32, #tpu.memory_space<vmem>>) target_semaphore(%arg12 : memref<!tpu.dma_semaphore, #tpu.memory_space<semaphore_mem>>)
    %dma_start3A_73 = arith.constant 3 : i32
    %dma_start3A_74 = arith.constant 0 : i32
    %dma_start3A_75 = tpu.memref_slice %arg8[%dma_start3A_73, %dma_start3A_74] : memref<4x128xi32, #tpu.memory_space<vmem>> -> memref<1x128xi32, #tpu.memory_space<vmem>>
    %dma_start3A_76 = tpu.memref_squeeze %dma_start3A_75 : memref<1x128xi32, #tpu.memory_space<vmem>> -> memref<128xi32, #tpu.memory_space<vmem>>
    %dma_start3A_77 = tpu.memref_slice %arg3[%add3A_10] : memref<16384xi32, #tpu.memory_space<hbm>> -> memref<128xi32, #tpu.memory_space<hbm>>
    %dma_start3A_78 = arith.constant 0 : i32
    %dma_start3A_79 = tpu.memref_slice %arg8[%dma_start3A_73, %dma_start3A_78] : memref<4x128xi32, #tpu.memory_space<vmem>> -> memref<1x128xi32, #tpu.memory_space<vmem>>
    %dma_start3A_80 = tpu.memref_squeeze %dma_start3A_79 : memref<1x128xi32, #tpu.memory_space<vmem>> -> memref<128xi32, #tpu.memory_space<vmem>>
    %dma_start3A_81 = tpu.memref_slice %arg3[%add3A_10] : memref<16384xi32, #tpu.memory_space<hbm>> -> memref<128xi32, #tpu.memory_space<hbm>>
    tpu.enqueue_dma source(%dma_start3A_81 : memref<128xi32, #tpu.memory_space<hbm>>) target(%dma_start3A_80 : memref<128xi32, #tpu.memory_space<vmem>>) target_semaphore(%arg12 : memref<!tpu.dma_semaphore, #tpu.memory_space<semaphore_mem>>)
    %dma_wait3A = arith.constant 0 : i32
    %dma_wait3A_82 = arith.constant 0 : i32
    %dma_wait3A_83 = tpu.memref_slice %arg7[%dma_wait3A, %dma_wait3A_82] : memref<4x128xi32, #tpu.memory_space<vmem>> -> memref<1x128xi32, #tpu.memory_space<vmem>>
    %dma_wait3A_84 = tpu.memref_squeeze %dma_wait3A_83 : memref<1x128xi32, #tpu.memory_space<vmem>> -> memref<128xi32, #tpu.memory_space<vmem>>
    %dma_wait3A_85 = tpu.memref_slice %arg2[%add3A_4] : memref<16384xi32, #tpu.memory_space<hbm>> -> memref<128xi32, #tpu.memory_space<hbm>>
    %dma_wait3A_86 = arith.constant 0 : i32
    %dma_wait3A_87 = tpu.memref_slice %arg7[%dma_wait3A, %dma_wait3A_86] : memref<4x128xi32, #tpu.memory_space<vmem>> -> memref<1x128xi32, #tpu.memory_space<vmem>>
    %dma_wait3A_88 = tpu.memref_squeeze %dma_wait3A_87 : memref<1x128xi32, #tpu.memory_space<vmem>> -> memref<128xi32, #tpu.memory_space<vmem>>
    %dma_wait3A_89 = tpu.memref_slice %arg2[%add3A_4] : memref<16384xi32, #tpu.memory_space<hbm>> -> memref<128xi32, #tpu.memory_space<hbm>>
    tpu.wait_dma2 semaphore(%arg12 : memref<!tpu.dma_semaphore, #tpu.memory_space<semaphore_mem>>) src(%dma_wait3A_89 : memref<128xi32, #tpu.memory_space<hbm>>) dst(%dma_wait3A_88 : memref<128xi32, #tpu.memory_space<vmem>>)
    %dma_wait3A_90 = arith.constant 0 : i32
    %dma_wait3A_91 = arith.constant 0 : i32
    %dma_wait3A_92 = tpu.memref_slice %arg8[%dma_wait3A_90, %dma_wait3A_91] : memref<4x128xi32, #tpu.memory_space<vmem>> -> memref<1x128xi32, #tpu.memory_space<vmem>>
    %dma_wait3A_93 = tpu.memref_squeeze %dma_wait3A_92 : memref<1x128xi32, #tpu.memory_space<vmem>> -> memref<128xi32, #tpu.memory_space<vmem>>
    %dma_wait3A_94 = tpu.memref_slice %arg3[%add3A_4] : memref<16384xi32, #tpu.memory_space<hbm>> -> memref<128xi32, #tpu.memory_space<hbm>>
    %dma_wait3A_95 = arith.constant 0 : i32
    %dma_wait3A_96 = tpu.memref_slice %arg8[%dma_wait3A_90, %dma_wait3A_95] : memref<4x128xi32, #tpu.memory_space<vmem>> -> memref<1x128xi32, #tpu.memory_space<vmem>>
    %dma_wait3A_97 = tpu.memref_squeeze %dma_wait3A_96 : memref<1x128xi32, #tpu.memory_space<vmem>> -> memref<128xi32, #tpu.memory_space<vmem>>
    %dma_wait3A_98 = tpu.memref_slice %arg3[%add3A_4] : memref<16384xi32, #tpu.memory_space<hbm>> -> memref<128xi32, #tpu.memory_space<hbm>>
    tpu.wait_dma2 semaphore(%arg12 : memref<!tpu.dma_semaphore, #tpu.memory_space<semaphore_mem>>) src(%dma_wait3A_98 : memref<128xi32, #tpu.memory_space<hbm>>) dst(%dma_wait3A_97 : memref<128xi32, #tpu.memory_space<vmem>>)
    %dma_wait3A_99 = arith.constant 1 : i32
    %dma_wait3A_100 = arith.constant 0 : i32
    %dma_wait3A_101 = tpu.memref_slice %arg7[%dma_wait3A_99, %dma_wait3A_100] : memref<4x128xi32, #tpu.memory_space<vmem>> -> memref<1x128xi32, #tpu.memory_space<vmem>>
    %dma_wait3A_102 = tpu.memref_squeeze %dma_wait3A_101 : memref<1x128xi32, #tpu.memory_space<vmem>> -> memref<128xi32, #tpu.memory_space<vmem>>
    %dma_wait3A_103 = tpu.memref_slice %arg2[%add3A_6] : memref<16384xi32, #tpu.memory_space<hbm>> -> memref<128xi32, #tpu.memory_space<hbm>>
    %dma_wait3A_104 = arith.constant 0 : i32
    %dma_wait3A_105 = tpu.memref_slice %arg7[%dma_wait3A_99, %dma_wait3A_104] : memref<4x128xi32, #tpu.memory_space<vmem>> -> memref<1x128xi32, #tpu.memory_space<vmem>>
    %dma_wait3A_106 = tpu.memref_squeeze %dma_wait3A_105 : memref<1x128xi32, #tpu.memory_space<vmem>> -> memref<128xi32, #tpu.memory_space<vmem>>
    %dma_wait3A_107 = tpu.memref_slice %arg2[%add3A_6] : memref<16384xi32, #tpu.memory_space<hbm>> -> memref<128xi32, #tpu.memory_space<hbm>>
    tpu.wait_dma2 semaphore(%arg12 : memref<!tpu.dma_semaphore, #tpu.memory_space<semaphore_mem>>) src(%dma_wait3A_107 : memref<128xi32, #tpu.memory_space<hbm>>) dst(%dma_wait3A_106 : memref<128xi32, #tpu.memory_space<vmem>>)
    %dma_wait3A_108 = arith.constant 1 : i32
    %dma_wait3A_109 = arith.constant 0 : i32
    %dma_wait3A_110 = tpu.memref_slice %arg8[%dma_wait3A_108, %dma_wait3A_109] : memref<4x128xi32, #tpu.memory_space<vmem>> -> memref<1x128xi32, #tpu.memory_space<vmem>>
    %dma_wait3A_111 = tpu.memref_squeeze %dma_wait3A_110 : memref<1x128xi32, #tpu.memory_space<vmem>> -> memref<128xi32, #tpu.memory_space<vmem>>
    %dma_wait3A_112 = tpu.memref_slice %arg3[%add3A_6] : memref<16384xi32, #tpu.memory_space<hbm>> -> memref<128xi32, #tpu.memory_space<hbm>>
    %dma_wait3A_113 = arith.constant 0 : i32
    %dma_wait3A_114 = tpu.memref_slice %arg8[%dma_wait3A_108, %dma_wait3A_113] : memref<4x128xi32, #tpu.memory_space<vmem>> -> memref<1x128xi32, #tpu.memory_space<vmem>>
    %dma_wait3A_115 = tpu.memref_squeeze %dma_wait3A_114 : memref<1x128xi32, #tpu.memory_space<vmem>> -> memref<128xi32, #tpu.memory_space<vmem>>
    %dma_wait3A_116 = tpu.memref_slice %arg3[%add3A_6] : memref<16384xi32, #tpu.memory_space<hbm>> -> memref<128xi32, #tpu.memory_space<hbm>>
    tpu.wait_dma2 semaphore(%arg12 : memref<!tpu.dma_semaphore, #tpu.memory_space<semaphore_mem>>) src(%dma_wait3A_116 : memref<128xi32, #tpu.memory_space<hbm>>) dst(%dma_wait3A_115 : memref<128xi32, #tpu.memory_space<vmem>>)
    %dma_wait3A_117 = arith.constant 2 : i32
    %dma_wait3A_118 = arith.constant 0 : i32
    %dma_wait3A_119 = tpu.memref_slice %arg7[%dma_wait3A_117, %dma_wait3A_118] : memref<4x128xi32, #tpu.memory_space<vmem>> -> memref<1x128xi32, #tpu.memory_space<vmem>>
    %dma_wait3A_120 = tpu.memref_squeeze %dma_wait3A_119 : memref<1x128xi32, #tpu.memory_space<vmem>> -> memref<128xi32, #tpu.memory_space<vmem>>
    %dma_wait3A_121 = tpu.memref_slice %arg2[%add3A_8] : memref<16384xi32, #tpu.memory_space<hbm>> -> memref<128xi32, #tpu.memory_space<hbm>>
    %dma_wait3A_122 = arith.constant 0 : i32
    %dma_wait3A_123 = tpu.memref_slice %arg7[%dma_wait3A_117, %dma_wait3A_122] : memref<4x128xi32, #tpu.memory_space<vmem>> -> memref<1x128xi32, #tpu.memory_space<vmem>>
    %dma_wait3A_124 = tpu.memref_squeeze %dma_wait3A_123 : memref<1x128xi32, #tpu.memory_space<vmem>> -> memref<128xi32, #tpu.memory_space<vmem>>
    %dma_wait3A_125 = tpu.memref_slice %arg2[%add3A_8] : memref<16384xi32, #tpu.memory_space<hbm>> -> memref<128xi32, #tpu.memory_space<hbm>>
    tpu.wait_dma2 semaphore(%arg12 : memref<!tpu.dma_semaphore, #tpu.memory_space<semaphore_mem>>) src(%dma_wait3A_125 : memref<128xi32, #tpu.memory_space<hbm>>) dst(%dma_wait3A_124 : memref<128xi32, #tpu.memory_space<vmem>>)
    %dma_wait3A_126 = arith.constant 2 : i32
    %dma_wait3A_127 = arith.constant 0 : i32
    %dma_wait3A_128 = tpu.memref_slice %arg8[%dma_wait3A_126, %dma_wait3A_127] : memref<4x128xi32, #tpu.memory_space<vmem>> -> memref<1x128xi32, #tpu.memory_space<vmem>>
    %dma_wait3A_129 = tpu.memref_squeeze %dma_wait3A_128 : memref<1x128xi32, #tpu.memory_space<vmem>> -> memref<128xi32, #tpu.memory_space<vmem>>
    %dma_wait3A_130 = tpu.memref_slice %arg3[%add3A_8] : memref<16384xi32, #tpu.memory_space<hbm>> -> memref<128xi32, #tpu.memory_space<hbm>>
    %dma_wait3A_131 = arith.constant 0 : i32
    %dma_wait3A_132 = tpu.memref_slice %arg8[%dma_wait3A_126, %dma_wait3A_131] : memref<4x128xi32, #tpu.memory_space<vmem>> -> memref<1x128xi32, #tpu.memory_space<vmem>>
    %dma_wait3A_133 = tpu.memref_squeeze %dma_wait3A_132 : memref<1x128xi32, #tpu.memory_space<vmem>> -> memref<128xi32, #tpu.memory_space<vmem>>
    %dma_wait3A_134 = tpu.memref_slice %arg3[%add3A_8] : memref<16384xi32, #tpu.memory_space<hbm>> -> memref<128xi32, #tpu.memory_space<hbm>>
    tpu.wait_dma2 semaphore(%arg12 : memref<!tpu.dma_semaphore, #tpu.memory_space<semaphore_mem>>) src(%dma_wait3A_134 : memref<128xi32, #tpu.memory_space<hbm>>) dst(%dma_wait3A_133 : memref<128xi32, #tpu.memory_space<vmem>>)
    %dma_wait3A_135 = arith.constant 3 : i32
    %dma_wait3A_136 = arith.constant 0 : i32
    %dma_wait3A_137 = tpu.memref_slice %arg7[%dma_wait3A_135, %dma_wait3A_136] : memref<4x128xi32, #tpu.memory_space<vmem>> -> memref<1x128xi32, #tpu.memory_space<vmem>>
    %dma_wait3A_138 = tpu.memref_squeeze %dma_wait3A_137 : memref<1x128xi32, #tpu.memory_space<vmem>> -> memref<128xi32, #tpu.memory_space<vmem>>
    %dma_wait3A_139 = tpu.memref_slice %arg2[%add3A_10] : memref<16384xi32, #tpu.memory_space<hbm>> -> memref<128xi32, #tpu.memory_space<hbm>>
    %dma_wait3A_140 = arith.constant 0 : i32
    %dma_wait3A_141 = tpu.memref_slice %arg7[%dma_wait3A_135, %dma_wait3A_140] : memref<4x128xi32, #tpu.memory_space<vmem>> -> memref<1x128xi32, #tpu.memory_space<vmem>>
    %dma_wait3A_142 = tpu.memref_squeeze %dma_wait3A_141 : memref<1x128xi32, #tpu.memory_space<vmem>> -> memref<128xi32, #tpu.memory_space<vmem>>
    %dma_wait3A_143 = tpu.memref_slice %arg2[%add3A_10] : memref<16384xi32, #tpu.memory_space<hbm>> -> memref<128xi32, #tpu.memory_space<hbm>>
    tpu.wait_dma2 semaphore(%arg12 : memref<!tpu.dma_semaphore, #tpu.memory_space<semaphore_mem>>) src(%dma_wait3A_143 : memref<128xi32, #tpu.memory_space<hbm>>) dst(%dma_wait3A_142 : memref<128xi32, #tpu.memory_space<vmem>>)
    %dma_wait3A_144 = arith.constant 3 : i32
    %dma_wait3A_145 = arith.constant 0 : i32
    %dma_wait3A_146 = tpu.memref_slice %arg8[%dma_wait3A_144, %dma_wait3A_145] : memref<4x128xi32, #tpu.memory_space<vmem>> -> memref<1x128xi32, #tpu.memory_space<vmem>>
    %dma_wait3A_147 = tpu.memref_squeeze %dma_wait3A_146 : memref<1x128xi32, #tpu.memory_space<vmem>> -> memref<128xi32, #tpu.memory_space<vmem>>
    %dma_wait3A_148 = tpu.memref_slice %arg3[%add3A_10] : memref<16384xi32, #tpu.memory_space<hbm>> -> memref<128xi32, #tpu.memory_space<hbm>>
    %dma_wait3A_149 = arith.constant 0 : i32
    %dma_wait3A_150 = tpu.memref_slice %arg8[%dma_wait3A_144, %dma_wait3A_149] : memref<4x128xi32, #tpu.memory_space<vmem>> -> memref<1x128xi32, #tpu.memory_space<vmem>>
    %dma_wait3A_151 = tpu.memref_squeeze %dma_wait3A_150 : memref<1x128xi32, #tpu.memory_space<vmem>> -> memref<128xi32, #tpu.memory_space<vmem>>
    %dma_wait3A_152 = tpu.memref_slice %arg3[%add3A_10] : memref<16384xi32, #tpu.memory_space<hbm>> -> memref<128xi32, #tpu.memory_space<hbm>>
    tpu.wait_dma2 semaphore(%arg12 : memref<!tpu.dma_semaphore, #tpu.memory_space<semaphore_mem>>) src(%dma_wait3A_152 : memref<128xi32, #tpu.memory_space<hbm>>) dst(%dma_wait3A_151 : memref<128xi32, #tpu.memory_space<vmem>>)
    %dma_start3A_153 = arith.constant 0 : i32
    %dma_start3A_154 = arith.constant 0 : i32
    %dma_start3A_155 = arith.constant 0 : i32
    %dma_start3A_156 = tpu.memref_slice %arg9[%dma_start3A_154, %dma_start3A_155] : memref<512x16xf32, #tpu.memory_space<vmem>> -> memref<128x16xf32, #tpu.memory_space<vmem>>
    %dma_start3A_157 = arith.constant 0 : i32
    %dma_start3A_158 = tpu.memref_slice %arg7[%dma_start3A_153, %dma_start3A_157] : memref<4x128xi32, #tpu.memory_space<vmem>> -> memref<1x128xi32, #tpu.memory_space<vmem>>
    %dma_start3A_159 = tpu.memref_squeeze %dma_start3A_158 : memref<1x128xi32, #tpu.memory_space<vmem>> -> memref<128xi32, #tpu.memory_space<vmem>>
    %dma_start3A_160 = arith.constant 0 : i32
    %dma_start3A_161 = arith.constant 0 : i32
    %dma_start3A_162 = tpu.memref_slice %arg5[%dma_start3A_160, %dma_start3A_161] : memref<1000000x16xf32, #tpu.memory_space<hbm>> -> memref<1000000x16xf32, #tpu.memory_space<hbm>>
    tpu.enqueue_indirect_dma source(%dma_start3A_162 : memref<1000000x16xf32, #tpu.memory_space<hbm>>) target(%dma_start3A_156 : memref<128x16xf32, #tpu.memory_space<vmem>>) offsets(%dma_start3A_159 : memref<128xi32, #tpu.memory_space<vmem>>) semaphore(%arg12 : memref<!tpu.dma_semaphore, #tpu.memory_space<semaphore_mem>>)
    %dma_start3A_163 = arith.constant 0 : i32
    %dma_start3A_164 = arith.constant 0 : i32
    %dma_start3A_165 = arith.constant 0 : i32
    %dma_start3A_166 = tpu.memref_slice %arg10[%dma_start3A_164, %dma_start3A_165] : memref<512x16xf32, #tpu.memory_space<vmem>> -> memref<128x16xf32, #tpu.memory_space<vmem>>
    %dma_start3A_167 = arith.constant 0 : i32
    %dma_start3A_168 = tpu.memref_slice %arg8[%dma_start3A_163, %dma_start3A_167] : memref<4x128xi32, #tpu.memory_space<vmem>> -> memref<1x128xi32, #tpu.memory_space<vmem>>
    %dma_start3A_169 = tpu.memref_squeeze %dma_start3A_168 : memref<1x128xi32, #tpu.memory_space<vmem>> -> memref<128xi32, #tpu.memory_space<vmem>>
    %dma_start3A_170 = arith.constant 0 : i32
    %dma_start3A_171 = arith.constant 0 : i32
    %dma_start3A_172 = tpu.memref_slice %arg4[%dma_start3A_170, %dma_start3A_171] : memref<1000000x16xf32, #tpu.memory_space<hbm>> -> memref<1000000x16xf32, #tpu.memory_space<hbm>>
    tpu.enqueue_indirect_dma source(%dma_start3A_172 : memref<1000000x16xf32, #tpu.memory_space<hbm>>) target(%dma_start3A_166 : memref<128x16xf32, #tpu.memory_space<vmem>>) offsets(%dma_start3A_169 : memref<128xi32, #tpu.memory_space<vmem>>) semaphore(%arg12 : memref<!tpu.dma_semaphore, #tpu.memory_space<semaphore_mem>>)
    %dma_start3A_173 = arith.constant 1 : i32
    %dma_start3A_174 = arith.constant 128 : i32
    %dma_start3A_175 = arith.constant 0 : i32
    %dma_start3A_176 = tpu.memref_slice %arg9[%dma_start3A_174, %dma_start3A_175] : memref<512x16xf32, #tpu.memory_space<vmem>> -> memref<128x16xf32, #tpu.memory_space<vmem>>
    %dma_start3A_177 = arith.constant 0 : i32
    %dma_start3A_178 = tpu.memref_slice %arg7[%dma_start3A_173, %dma_start3A_177] : memref<4x128xi32, #tpu.memory_space<vmem>> -> memref<1x128xi32, #tpu.memory_space<vmem>>
    %dma_start3A_179 = tpu.memref_squeeze %dma_start3A_178 : memref<1x128xi32, #tpu.memory_space<vmem>> -> memref<128xi32, #tpu.memory_space<vmem>>
    %dma_start3A_180 = arith.constant 0 : i32
    %dma_start3A_181 = arith.constant 0 : i32
    %dma_start3A_182 = tpu.memref_slice %arg5[%dma_start3A_180, %dma_start3A_181] : memref<1000000x16xf32, #tpu.memory_space<hbm>> -> memref<1000000x16xf32, #tpu.memory_space<hbm>>
    tpu.enqueue_indirect_dma source(%dma_start3A_182 : memref<1000000x16xf32, #tpu.memory_space<hbm>>) target(%dma_start3A_176 : memref<128x16xf32, #tpu.memory_space<vmem>>) offsets(%dma_start3A_179 : memref<128xi32, #tpu.memory_space<vmem>>) semaphore(%arg12 : memref<!tpu.dma_semaphore, #tpu.memory_space<semaphore_mem>>)
    %dma_start3A_183 = arith.constant 1 : i32
    %dma_start3A_184 = arith.constant 128 : i32
    %dma_start3A_185 = arith.constant 0 : i32
    %dma_start3A_186 = tpu.memref_slice %arg10[%dma_start3A_184, %dma_start3A_185] : memref<512x16xf32, #tpu.memory_space<vmem>> -> memref<128x16xf32, #tpu.memory_space<vmem>>
    %dma_start3A_187 = arith.constant 0 : i32
    %dma_start3A_188 = tpu.memref_slice %arg8[%dma_start3A_183, %dma_start3A_187] : memref<4x128xi32, #tpu.memory_space<vmem>> -> memref<1x128xi32, #tpu.memory_space<vmem>>
    %dma_start3A_189 = tpu.memref_squeeze %dma_start3A_188 : memref<1x128xi32, #tpu.memory_space<vmem>> -> memref<128xi32, #tpu.memory_space<vmem>>
    %dma_start3A_190 = arith.constant 0 : i32
    %dma_start3A_191 = arith.constant 0 : i32
    %dma_start3A_192 = tpu.memref_slice %arg4[%dma_start3A_190, %dma_start3A_191] : memref<1000000x16xf32, #tpu.memory_space<hbm>> -> memref<1000000x16xf32, #tpu.memory_space<hbm>>
    tpu.enqueue_indirect_dma source(%dma_start3A_192 : memref<1000000x16xf32, #tpu.memory_space<hbm>>) target(%dma_start3A_186 : memref<128x16xf32, #tpu.memory_space<vmem>>) offsets(%dma_start3A_189 : memref<128xi32, #tpu.memory_space<vmem>>) semaphore(%arg12 : memref<!tpu.dma_semaphore, #tpu.memory_space<semaphore_mem>>)
    %dma_start3A_193 = arith.constant 2 : i32
    %dma_start3A_194 = arith.constant 256 : i32
    %dma_start3A_195 = arith.constant 0 : i32
    %dma_start3A_196 = tpu.memref_slice %arg9[%dma_start3A_194, %dma_start3A_195] : memref<512x16xf32, #tpu.memory_space<vmem>> -> memref<128x16xf32, #tpu.memory_space<vmem>>
    %dma_start3A_197 = arith.constant 0 : i32
    %dma_start3A_198 = tpu.memref_slice %arg7[%dma_start3A_193, %dma_start3A_197] : memref<4x128xi32, #tpu.memory_space<vmem>> -> memref<1x128xi32, #tpu.memory_space<vmem>>
    %dma_start3A_199 = tpu.memref_squeeze %dma_start3A_198 : memref<1x128xi32, #tpu.memory_space<vmem>> -> memref<128xi32, #tpu.memory_space<vmem>>
    %dma_start3A_200 = arith.constant 0 : i32
    %dma_start3A_201 = arith.constant 0 : i32
    %dma_start3A_202 = tpu.memref_slice %arg5[%dma_start3A_200, %dma_start3A_201] : memref<1000000x16xf32, #tpu.memory_space<hbm>> -> memref<1000000x16xf32, #tpu.memory_space<hbm>>
    tpu.enqueue_indirect_dma source(%dma_start3A_202 : memref<1000000x16xf32, #tpu.memory_space<hbm>>) target(%dma_start3A_196 : memref<128x16xf32, #tpu.memory_space<vmem>>) offsets(%dma_start3A_199 : memref<128xi32, #tpu.memory_space<vmem>>) semaphore(%arg12 : memref<!tpu.dma_semaphore, #tpu.memory_space<semaphore_mem>>)
    %dma_start3A_203 = arith.constant 2 : i32
    %dma_start3A_204 = arith.constant 256 : i32
    %dma_start3A_205 = arith.constant 0 : i32
    %dma_start3A_206 = tpu.memref_slice %arg10[%dma_start3A_204, %dma_start3A_205] : memref<512x16xf32, #tpu.memory_space<vmem>> -> memref<128x16xf32, #tpu.memory_space<vmem>>
    %dma_start3A_207 = arith.constant 0 : i32
    %dma_start3A_208 = tpu.memref_slice %arg8[%dma_start3A_203, %dma_start3A_207] : memref<4x128xi32, #tpu.memory_space<vmem>> -> memref<1x128xi32, #tpu.memory_space<vmem>>
    %dma_start3A_209 = tpu.memref_squeeze %dma_start3A_208 : memref<1x128xi32, #tpu.memory_space<vmem>> -> memref<128xi32, #tpu.memory_space<vmem>>
    %dma_start3A_210 = arith.constant 0 : i32
    %dma_start3A_211 = arith.constant 0 : i32
    %dma_start3A_212 = tpu.memref_slice %arg4[%dma_start3A_210, %dma_start3A_211] : memref<1000000x16xf32, #tpu.memory_space<hbm>> -> memref<1000000x16xf32, #tpu.memory_space<hbm>>
    tpu.enqueue_indirect_dma source(%dma_start3A_212 : memref<1000000x16xf32, #tpu.memory_space<hbm>>) target(%dma_start3A_206 : memref<128x16xf32, #tpu.memory_space<vmem>>) offsets(%dma_start3A_209 : memref<128xi32, #tpu.memory_space<vmem>>) semaphore(%arg12 : memref<!tpu.dma_semaphore, #tpu.memory_space<semaphore_mem>>)
    %dma_start3A_213 = arith.constant 3 : i32
    %dma_start3A_214 = arith.constant 384 : i32
    %dma_start3A_215 = arith.constant 0 : i32
    %dma_start3A_216 = tpu.memref_slice %arg9[%dma_start3A_214, %dma_start3A_215] : memref<512x16xf32, #tpu.memory_space<vmem>> -> memref<128x16xf32, #tpu.memory_space<vmem>>
    %dma_start3A_217 = arith.constant 0 : i32
    %dma_start3A_218 = tpu.memref_slice %arg7[%dma_start3A_213, %dma_start3A_217] : memref<4x128xi32, #tpu.memory_space<vmem>> -> memref<1x128xi32, #tpu.memory_space<vmem>>
    %dma_start3A_219 = tpu.memref_squeeze %dma_start3A_218 : memref<1x128xi32, #tpu.memory_space<vmem>> -> memref<128xi32, #tpu.memory_space<vmem>>
    %dma_start3A_220 = arith.constant 0 : i32
    %dma_start3A_221 = arith.constant 0 : i32
    %dma_start3A_222 = tpu.memref_slice %arg5[%dma_start3A_220, %dma_start3A_221] : memref<1000000x16xf32, #tpu.memory_space<hbm>> -> memref<1000000x16xf32, #tpu.memory_space<hbm>>
    tpu.enqueue_indirect_dma source(%dma_start3A_222 : memref<1000000x16xf32, #tpu.memory_space<hbm>>) target(%dma_start3A_216 : memref<128x16xf32, #tpu.memory_space<vmem>>) offsets(%dma_start3A_219 : memref<128xi32, #tpu.memory_space<vmem>>) semaphore(%arg12 : memref<!tpu.dma_semaphore, #tpu.memory_space<semaphore_mem>>)
    %dma_start3A_223 = arith.constant 3 : i32
    %dma_start3A_224 = arith.constant 384 : i32
    %dma_start3A_225 = arith.constant 0 : i32
    %dma_start3A_226 = tpu.memref_slice %arg10[%dma_start3A_224, %dma_start3A_225] : memref<512x16xf32, #tpu.memory_space<vmem>> -> memref<128x16xf32, #tpu.memory_space<vmem>>
    %dma_start3A_227 = arith.constant 0 : i32
    %dma_start3A_228 = tpu.memref_slice %arg8[%dma_start3A_223, %dma_start3A_227] : memref<4x128xi32, #tpu.memory_space<vmem>> -> memref<1x128xi32, #tpu.memory_space<vmem>>
    %dma_start3A_229 = tpu.memref_squeeze %dma_start3A_228 : memref<1x128xi32, #tpu.memory_space<vmem>> -> memref<128xi32, #tpu.memory_space<vmem>>
    %dma_start3A_230 = arith.constant 0 : i32
    %dma_start3A_231 = arith.constant 0 : i32
    %dma_start3A_232 = tpu.memref_slice %arg4[%dma_start3A_230, %dma_start3A_231] : memref<1000000x16xf32, #tpu.memory_space<hbm>> -> memref<1000000x16xf32, #tpu.memory_space<hbm>>
    tpu.enqueue_indirect_dma source(%dma_start3A_232 : memref<1000000x16xf32, #tpu.memory_space<hbm>>) target(%dma_start3A_226 : memref<128x16xf32, #tpu.memory_space<vmem>>) offsets(%dma_start3A_229 : memref<128xi32, #tpu.memory_space<vmem>>) semaphore(%arg12 : memref<!tpu.dma_semaphore, #tpu.memory_space<semaphore_mem>>)
    %dma_wait3A_233 = arith.constant 0 : i32
    %dma_wait3A_234 = arith.constant 0 : i32
    %dma_wait3A_235 = arith.constant 0 : i32
    %dma_wait3A_236 = tpu.memref_slice %arg9[%dma_wait3A_234, %dma_wait3A_235] : memref<512x16xf32, #tpu.memory_space<vmem>> -> memref<128x16xf32, #tpu.memory_space<vmem>>
    %dma_wait3A_237 = arith.constant 0 : i32
    %dma_wait3A_238 = tpu.memref_slice %arg7[%dma_wait3A_233, %dma_wait3A_237] : memref<4x128xi32, #tpu.memory_space<vmem>> -> memref<1x128xi32, #tpu.memory_space<vmem>>
    %dma_wait3A_239 = tpu.memref_squeeze %dma_wait3A_238 : memref<1x128xi32, #tpu.memory_space<vmem>> -> memref<128xi32, #tpu.memory_space<vmem>>
    %dma_wait3A_240 = arith.constant 0 : i32
    %dma_wait3A_241 = arith.constant 0 : i32
    %dma_wait3A_242 = tpu.memref_slice %arg5[%dma_wait3A_240, %dma_wait3A_241] : memref<1000000x16xf32, #tpu.memory_space<hbm>> -> memref<1000000x16xf32, #tpu.memory_space<hbm>>
    tpu.wait_indirect_dma semaphore(%arg12 : memref<!tpu.dma_semaphore, #tpu.memory_space<semaphore_mem>>) src(%dma_wait3A_242 : memref<1000000x16xf32, #tpu.memory_space<hbm>>) dst(%dma_wait3A_236 : memref<128x16xf32, #tpu.memory_space<vmem>>)
    %dma_wait3A_243 = arith.constant 0 : i32
    %dma_wait3A_244 = arith.constant 0 : i32
    %dma_wait3A_245 = arith.constant 0 : i32
    %dma_wait3A_246 = tpu.memref_slice %arg10[%dma_wait3A_244, %dma_wait3A_245] : memref<512x16xf32, #tpu.memory_space<vmem>> -> memref<128x16xf32, #tpu.memory_space<vmem>>
    %dma_wait3A_247 = arith.constant 0 : i32
    %dma_wait3A_248 = tpu.memref_slice %arg8[%dma_wait3A_243, %dma_wait3A_247] : memref<4x128xi32, #tpu.memory_space<vmem>> -> memref<1x128xi32, #tpu.memory_space<vmem>>
    %dma_wait3A_249 = tpu.memref_squeeze %dma_wait3A_248 : memref<1x128xi32, #tpu.memory_space<vmem>> -> memref<128xi32, #tpu.memory_space<vmem>>
    %dma_wait3A_250 = arith.constant 0 : i32
    %dma_wait3A_251 = arith.constant 0 : i32
    %dma_wait3A_252 = tpu.memref_slice %arg4[%dma_wait3A_250, %dma_wait3A_251] : memref<1000000x16xf32, #tpu.memory_space<hbm>> -> memref<1000000x16xf32, #tpu.memory_space<hbm>>
    tpu.wait_indirect_dma semaphore(%arg12 : memref<!tpu.dma_semaphore, #tpu.memory_space<semaphore_mem>>) src(%dma_wait3A_252 : memref<1000000x16xf32, #tpu.memory_space<hbm>>) dst(%dma_wait3A_246 : memref<128x16xf32, #tpu.memory_space<vmem>>)
    %dma_wait3A_253 = arith.constant 1 : i32
    %dma_wait3A_254 = arith.constant 128 : i32
    %dma_wait3A_255 = arith.constant 0 : i32
    %dma_wait3A_256 = tpu.memref_slice %arg9[%dma_wait3A_254, %dma_wait3A_255] : memref<512x16xf32, #tpu.memory_space<vmem>> -> memref<128x16xf32, #tpu.memory_space<vmem>>
    %dma_wait3A_257 = arith.constant 0 : i32
    %dma_wait3A_258 = tpu.memref_slice %arg7[%dma_wait3A_253, %dma_wait3A_257] : memref<4x128xi32, #tpu.memory_space<vmem>> -> memref<1x128xi32, #tpu.memory_space<vmem>>
    %dma_wait3A_259 = tpu.memref_squeeze %dma_wait3A_258 : memref<1x128xi32, #tpu.memory_space<vmem>> -> memref<128xi32, #tpu.memory_space<vmem>>
    %dma_wait3A_260 = arith.constant 0 : i32
    %dma_wait3A_261 = arith.constant 0 : i32
    %dma_wait3A_262 = tpu.memref_slice %arg5[%dma_wait3A_260, %dma_wait3A_261] : memref<1000000x16xf32, #tpu.memory_space<hbm>> -> memref<1000000x16xf32, #tpu.memory_space<hbm>>
    tpu.wait_indirect_dma semaphore(%arg12 : memref<!tpu.dma_semaphore, #tpu.memory_space<semaphore_mem>>) src(%dma_wait3A_262 : memref<1000000x16xf32, #tpu.memory_space<hbm>>) dst(%dma_wait3A_256 : memref<128x16xf32, #tpu.memory_space<vmem>>)
    %dma_wait3A_263 = arith.constant 1 : i32
    %dma_wait3A_264 = arith.constant 128 : i32
    %dma_wait3A_265 = arith.constant 0 : i32
    %dma_wait3A_266 = tpu.memref_slice %arg10[%dma_wait3A_264, %dma_wait3A_265] : memref<512x16xf32, #tpu.memory_space<vmem>> -> memref<128x16xf32, #tpu.memory_space<vmem>>
    %dma_wait3A_267 = arith.constant 0 : i32
    %dma_wait3A_268 = tpu.memref_slice %arg8[%dma_wait3A_263, %dma_wait3A_267] : memref<4x128xi32, #tpu.memory_space<vmem>> -> memref<1x128xi32, #tpu.memory_space<vmem>>
    %dma_wait3A_269 = tpu.memref_squeeze %dma_wait3A_268 : memref<1x128xi32, #tpu.memory_space<vmem>> -> memref<128xi32, #tpu.memory_space<vmem>>
    %dma_wait3A_270 = arith.constant 0 : i32
    %dma_wait3A_271 = arith.constant 0 : i32
    %dma_wait3A_272 = tpu.memref_slice %arg4[%dma_wait3A_270, %dma_wait3A_271] : memref<1000000x16xf32, #tpu.memory_space<hbm>> -> memref<1000000x16xf32, #tpu.memory_space<hbm>>
    tpu.wait_indirect_dma semaphore(%arg12 : memref<!tpu.dma_semaphore, #tpu.memory_space<semaphore_mem>>) src(%dma_wait3A_272 : memref<1000000x16xf32, #tpu.memory_space<hbm>>) dst(%dma_wait3A_266 : memref<128x16xf32, #tpu.memory_space<vmem>>)
    %dma_wait3A_273 = arith.constant 2 : i32
    %dma_wait3A_274 = arith.constant 256 : i32
    %dma_wait3A_275 = arith.constant 0 : i32
    %dma_wait3A_276 = tpu.memref_slice %arg9[%dma_wait3A_274, %dma_wait3A_275] : memref<512x16xf32, #tpu.memory_space<vmem>> -> memref<128x16xf32, #tpu.memory_space<vmem>>
    %dma_wait3A_277 = arith.constant 0 : i32
    %dma_wait3A_278 = tpu.memref_slice %arg7[%dma_wait3A_273, %dma_wait3A_277] : memref<4x128xi32, #tpu.memory_space<vmem>> -> memref<1x128xi32, #tpu.memory_space<vmem>>
    %dma_wait3A_279 = tpu.memref_squeeze %dma_wait3A_278 : memref<1x128xi32, #tpu.memory_space<vmem>> -> memref<128xi32, #tpu.memory_space<vmem>>
    %dma_wait3A_280 = arith.constant 0 : i32
    %dma_wait3A_281 = arith.constant 0 : i32
    %dma_wait3A_282 = tpu.memref_slice %arg5[%dma_wait3A_280, %dma_wait3A_281] : memref<1000000x16xf32, #tpu.memory_space<hbm>> -> memref<1000000x16xf32, #tpu.memory_space<hbm>>
    tpu.wait_indirect_dma semaphore(%arg12 : memref<!tpu.dma_semaphore, #tpu.memory_space<semaphore_mem>>) src(%dma_wait3A_282 : memref<1000000x16xf32, #tpu.memory_space<hbm>>) dst(%dma_wait3A_276 : memref<128x16xf32, #tpu.memory_space<vmem>>)
    %dma_wait3A_283 = arith.constant 2 : i32
    %dma_wait3A_284 = arith.constant 256 : i32
    %dma_wait3A_285 = arith.constant 0 : i32
    %dma_wait3A_286 = tpu.memref_slice %arg10[%dma_wait3A_284, %dma_wait3A_285] : memref<512x16xf32, #tpu.memory_space<vmem>> -> memref<128x16xf32, #tpu.memory_space<vmem>>
    %dma_wait3A_287 = arith.constant 0 : i32
    %dma_wait3A_288 = tpu.memref_slice %arg8[%dma_wait3A_283, %dma_wait3A_287] : memref<4x128xi32, #tpu.memory_space<vmem>> -> memref<1x128xi32, #tpu.memory_space<vmem>>
    %dma_wait3A_289 = tpu.memref_squeeze %dma_wait3A_288 : memref<1x128xi32, #tpu.memory_space<vmem>> -> memref<128xi32, #tpu.memory_space<vmem>>
    %dma_wait3A_290 = arith.constant 0 : i32
    %dma_wait3A_291 = arith.constant 0 : i32
    %dma_wait3A_292 = tpu.memref_slice %arg4[%dma_wait3A_290, %dma_wait3A_291] : memref<1000000x16xf32, #tpu.memory_space<hbm>> -> memref<1000000x16xf32, #tpu.memory_space<hbm>>
    tpu.wait_indirect_dma semaphore(%arg12 : memref<!tpu.dma_semaphore, #tpu.memory_space<semaphore_mem>>) src(%dma_wait3A_292 : memref<1000000x16xf32, #tpu.memory_space<hbm>>) dst(%dma_wait3A_286 : memref<128x16xf32, #tpu.memory_space<vmem>>)
    %dma_wait3A_293 = arith.constant 3 : i32
    %dma_wait3A_294 = arith.constant 384 : i32
    %dma_wait3A_295 = arith.constant 0 : i32
    %dma_wait3A_296 = tpu.memref_slice %arg9[%dma_wait3A_294, %dma_wait3A_295] : memref<512x16xf32, #tpu.memory_space<vmem>> -> memref<128x16xf32, #tpu.memory_space<vmem>>
    %dma_wait3A_297 = arith.constant 0 : i32
    %dma_wait3A_298 = tpu.memref_slice %arg7[%dma_wait3A_293, %dma_wait3A_297] : memref<4x128xi32, #tpu.memory_space<vmem>> -> memref<1x128xi32, #tpu.memory_space<vmem>>
    %dma_wait3A_299 = tpu.memref_squeeze %dma_wait3A_298 : memref<1x128xi32, #tpu.memory_space<vmem>> -> memref<128xi32, #tpu.memory_space<vmem>>
    %dma_wait3A_300 = arith.constant 0 : i32
    %dma_wait3A_301 = arith.constant 0 : i32
    %dma_wait3A_302 = tpu.memref_slice %arg5[%dma_wait3A_300, %dma_wait3A_301] : memref<1000000x16xf32, #tpu.memory_space<hbm>> -> memref<1000000x16xf32, #tpu.memory_space<hbm>>
    tpu.wait_indirect_dma semaphore(%arg12 : memref<!tpu.dma_semaphore, #tpu.memory_space<semaphore_mem>>) src(%dma_wait3A_302 : memref<1000000x16xf32, #tpu.memory_space<hbm>>) dst(%dma_wait3A_296 : memref<128x16xf32, #tpu.memory_space<vmem>>)
    %dma_wait3A_303 = arith.constant 3 : i32
    %dma_wait3A_304 = arith.constant 384 : i32
    %dma_wait3A_305 = arith.constant 0 : i32
    %dma_wait3A_306 = tpu.memref_slice %arg10[%dma_wait3A_304, %dma_wait3A_305] : memref<512x16xf32, #tpu.memory_space<vmem>> -> memref<128x16xf32, #tpu.memory_space<vmem>>
    %dma_wait3A_307 = arith.constant 0 : i32
    %dma_wait3A_308 = tpu.memref_slice %arg8[%dma_wait3A_303, %dma_wait3A_307] : memref<4x128xi32, #tpu.memory_space<vmem>> -> memref<1x128xi32, #tpu.memory_space<vmem>>
    %dma_wait3A_309 = tpu.memref_squeeze %dma_wait3A_308 : memref<1x128xi32, #tpu.memory_space<vmem>> -> memref<128xi32, #tpu.memory_space<vmem>>
    %dma_wait3A_310 = arith.constant 0 : i32
    %dma_wait3A_311 = arith.constant 0 : i32
    %dma_wait3A_312 = tpu.memref_slice %arg4[%dma_wait3A_310, %dma_wait3A_311] : memref<1000000x16xf32, #tpu.memory_space<hbm>> -> memref<1000000x16xf32, #tpu.memory_space<hbm>>
    tpu.wait_indirect_dma semaphore(%arg12 : memref<!tpu.dma_semaphore, #tpu.memory_space<semaphore_mem>>) src(%dma_wait3A_312 : memref<1000000x16xf32, #tpu.memory_space<hbm>>) dst(%dma_wait3A_306 : memref<128x16xf32, #tpu.memory_space<vmem>>)
    %iota3A = tpu.iota {dimensions = array<i32: 0>} : vector<16xi32>
    %scan3A = arith.constant 0 : i32
    %scan3A_313 = arith.constant 32 : i32
    %scan3A_314 = arith.addi %scan3A, %scan3A_313 : i32
    %scan3A_315 = arith.constant 1 : i32
    scf.for %scan3A_317 = %scan3A to %scan3A_314 step %scan3A_315  : i32 {
      %mul3A_318 = arith.constant 16 : i32
      %mul3A_319 = arith.muli %scan3A_317, %mul3A_318 : i32
      %add3A_320 = vector.broadcast %mul3A_319 : i32 to vector<16xi32>
      %add3A_321 = arith.addi %add3A_320, %iota3A : vector<16xi32>
      %broadcast_in_dim3A = arith.constant 0.000000e+00 : f32
      %broadcast_in_dim3A_322 = vector.broadcast %broadcast_in_dim3A : f32 to vector<16xf32>
      %add3A_323 = arith.constant 0 : i32
      %add3A_324 = vector.broadcast %add3A_323 : i32 to vector<16xi32>
      %add3A_325 = arith.addi %iota3A, %add3A_324 : vector<16xi32>
      %and3A = arith.constant 15 : i32
      %and3A_326 = vector.broadcast %and3A : i32 to vector<16xi32>
      %and3A_327 = arith.andi %add3A_325, %and3A_326 : vector<16xi32>
      %gather3A = tpu.vector_load_idx %arg9[%add3A_321, %and3A_327] : memref<512x16xf32, #tpu.memory_space<vmem>>[vector<16xi32>, vector<16xi32>], vector<16xf32>,
      %gather3A_328 = tpu.vector_load_idx %arg10[%add3A_321, %and3A_327] : memref<512x16xf32, #tpu.memory_space<vmem>>[vector<16xi32>, vector<16xi32>], vector<16xf32>,
      %mul3A_329 = arith.mulf %gather3A, %gather3A_328 : vector<16xf32>
      %add3A_330 = arith.addf %broadcast_in_dim3A_322, %mul3A_329 : vector<16xf32>
      %add3A_331 = arith.constant 1 : i32
      %add3A_332 = vector.broadcast %add3A_331 : i32 to vector<16xi32>
      %add3A_333 = arith.addi %iota3A, %add3A_332 : vector<16xi32>
      %and3A_334 = arith.constant 15 : i32
      %and3A_335 = vector.broadcast %and3A_334 : i32 to vector<16xi32>
      %and3A_336 = arith.andi %add3A_333, %and3A_335 : vector<16xi32>
      %gather3A_337 = tpu.vector_load_idx %arg9[%add3A_321, %and3A_336] : memref<512x16xf32, #tpu.memory_space<vmem>>[vector<16xi32>, vector<16xi32>], vector<16xf32>,
      %gather3A_338 = tpu.vector_load_idx %arg10[%add3A_321, %and3A_336] : memref<512x16xf32, #tpu.memory_space<vmem>>[vector<16xi32>, vector<16xi32>], vector<16xf32>,
      %mul3A_339 = arith.mulf %gather3A_337, %gather3A_338 : vector<16xf32>
      %add3A_340 = arith.addf %add3A_330, %mul3A_339 : vector<16xf32>
      %add3A_341 = arith.constant 2 : i32
      %add3A_342 = vector.broadcast %add3A_341 : i32 to vector<16xi32>
      %add3A_343 = arith.addi %iota3A, %add3A_342 : vector<16xi32>
      %and3A_344 = arith.constant 15 : i32
      %and3A_345 = vector.broadcast %and3A_344 : i32 to vector<16xi32>
      %and3A_346 = arith.andi %add3A_343, %and3A_345 : vector<16xi32>
      %gather3A_347 = tpu.vector_load_idx %arg9[%add3A_321, %and3A_346] : memref<512x16xf32, #tpu.memory_space<vmem>>[vector<16xi32>, vector<16xi32>], vector<16xf32>,
      %gather3A_348 = tpu.vector_load_idx %arg10[%add3A_321, %and3A_346] : memref<512x16xf32, #tpu.memory_space<vmem>>[vector<16xi32>, vector<16xi32>], vector<16xf32>,
      %mul3A_349 = arith.mulf %gather3A_347, %gather3A_348 : vector<16xf32>
      %add3A_350 = arith.addf %add3A_340, %mul3A_349 : vector<16xf32>
      %add3A_351 = arith.constant 3 : i32
      %add3A_352 = vector.broadcast %add3A_351 : i32 to vector<16xi32>
      %add3A_353 = arith.addi %iota3A, %add3A_352 : vector<16xi32>
      %and3A_354 = arith.constant 15 : i32
      %and3A_355 = vector.broadcast %and3A_354 : i32 to vector<16xi32>
      %and3A_356 = arith.andi %add3A_353, %and3A_355 : vector<16xi32>
      %gather3A_357 = tpu.vector_load_idx %arg9[%add3A_321, %and3A_356] : memref<512x16xf32, #tpu.memory_space<vmem>>[vector<16xi32>, vector<16xi32>], vector<16xf32>,
      %gather3A_358 = tpu.vector_load_idx %arg10[%add3A_321, %and3A_356] : memref<512x16xf32, #tpu.memory_space<vmem>>[vector<16xi32>, vector<16xi32>], vector<16xf32>,
      %mul3A_359 = arith.mulf %gather3A_357, %gather3A_358 : vector<16xf32>
      %add3A_360 = arith.addf %add3A_350, %mul3A_359 : vector<16xf32>
      %add3A_361 = arith.constant 4 : i32
      %add3A_362 = vector.broadcast %add3A_361 : i32 to vector<16xi32>
      %add3A_363 = arith.addi %iota3A, %add3A_362 : vector<16xi32>
      %and3A_364 = arith.constant 15 : i32
      %and3A_365 = vector.broadcast %and3A_364 : i32 to vector<16xi32>
      %and3A_366 = arith.andi %add3A_363, %and3A_365 : vector<16xi32>
      %gather3A_367 = tpu.vector_load_idx %arg9[%add3A_321, %and3A_366] : memref<512x16xf32, #tpu.memory_space<vmem>>[vector<16xi32>, vector<16xi32>], vector<16xf32>,
      %gather3A_368 = tpu.vector_load_idx %arg10[%add3A_321, %and3A_366] : memref<512x16xf32, #tpu.memory_space<vmem>>[vector<16xi32>, vector<16xi32>], vector<16xf32>,
      %mul3A_369 = arith.mulf %gather3A_367, %gather3A_368 : vector<16xf32>
      %add3A_370 = arith.addf %add3A_360, %mul3A_369 : vector<16xf32>
      %add3A_371 = arith.constant 5 : i32
      %add3A_372 = vector.broadcast %add3A_371 : i32 to vector<16xi32>
      %add3A_373 = arith.addi %iota3A, %add3A_372 : vector<16xi32>
      %and3A_374 = arith.constant 15 : i32
      %and3A_375 = vector.broadcast %and3A_374 : i32 to vector<16xi32>
      %and3A_376 = arith.andi %add3A_373, %and3A_375 : vector<16xi32>
      %gather3A_377 = tpu.vector_load_idx %arg9[%add3A_321, %and3A_376] : memref<512x16xf32, #tpu.memory_space<vmem>>[vector<16xi32>, vector<16xi32>], vector<16xf32>,
      %gather3A_378 = tpu.vector_load_idx %arg10[%add3A_321, %and3A_376] : memref<512x16xf32, #tpu.memory_space<vmem>>[vector<16xi32>, vector<16xi32>], vector<16xf32>,
      %mul3A_379 = arith.mulf %gather3A_377, %gather3A_378 : vector<16xf32>
      %add3A_380 = arith.addf %add3A_370, %mul3A_379 : vector<16xf32>
      %add3A_381 = arith.constant 6 : i32
      %add3A_382 = vector.broadcast %add3A_381 : i32 to vector<16xi32>
      %add3A_383 = arith.addi %iota3A, %add3A_382 : vector<16xi32>
      %and3A_384 = arith.constant 15 : i32
      %and3A_385 = vector.broadcast %and3A_384 : i32 to vector<16xi32>
      %and3A_386 = arith.andi %add3A_383, %and3A_385 : vector<16xi32>
      %gather3A_387 = tpu.vector_load_idx %arg9[%add3A_321, %and3A_386] : memref<512x16xf32, #tpu.memory_space<vmem>>[vector<16xi32>, vector<16xi32>], vector<16xf32>,
      %gather3A_388 = tpu.vector_load_idx %arg10[%add3A_321, %and3A_386] : memref<512x16xf32, #tpu.memory_space<vmem>>[vector<16xi32>, vector<16xi32>], vector<16xf32>,
      %mul3A_389 = arith.mulf %gather3A_387, %gather3A_388 : vector<16xf32>
      %add3A_390 = arith.addf %add3A_380, %mul3A_389 : vector<16xf32>
      %add3A_391 = arith.constant 7 : i32
      %add3A_392 = vector.broadcast %add3A_391 : i32 to vector<16xi32>
      %add3A_393 = arith.addi %iota3A, %add3A_392 : vector<16xi32>
      %and3A_394 = arith.constant 15 : i32
      %and3A_395 = vector.broadcast %and3A_394 : i32 to vector<16xi32>
      %and3A_396 = arith.andi %add3A_393, %and3A_395 : vector<16xi32>
      %gather3A_397 = tpu.vector_load_idx %arg9[%add3A_321, %and3A_396] : memref<512x16xf32, #tpu.memory_space<vmem>>[vector<16xi32>, vector<16xi32>], vector<16xf32>,
      %gather3A_398 = tpu.vector_load_idx %arg10[%add3A_321, %and3A_396] : memref<512x16xf32, #tpu.memory_space<vmem>>[vector<16xi32>, vector<16xi32>], vector<16xf32>,
      %mul3A_399 = arith.mulf %gather3A_397, %gather3A_398 : vector<16xf32>
      %add3A_400 = arith.addf %add3A_390, %mul3A_399 : vector<16xf32>
      %add3A_401 = arith.constant 8 : i32
      %add3A_402 = vector.broadcast %add3A_401 : i32 to vector<16xi32>
      %add3A_403 = arith.addi %iota3A, %add3A_402 : vector<16xi32>
      %and3A_404 = arith.constant 15 : i32
      %and3A_405 = vector.broadcast %and3A_404 : i32 to vector<16xi32>
      %and3A_406 = arith.andi %add3A_403, %and3A_405 : vector<16xi32>
      %gather3A_407 = tpu.vector_load_idx %arg9[%add3A_321, %and3A_406] : memref<512x16xf32, #tpu.memory_space<vmem>>[vector<16xi32>, vector<16xi32>], vector<16xf32>,
      %gather3A_408 = tpu.vector_load_idx %arg10[%add3A_321, %and3A_406] : memref<512x16xf32, #tpu.memory_space<vmem>>[vector<16xi32>, vector<16xi32>], vector<16xf32>,
      %mul3A_409 = arith.mulf %gather3A_407, %gather3A_408 : vector<16xf32>
      %add3A_410 = arith.addf %add3A_400, %mul3A_409 : vector<16xf32>
      %add3A_411 = arith.constant 9 : i32
      %add3A_412 = vector.broadcast %add3A_411 : i32 to vector<16xi32>
      %add3A_413 = arith.addi %iota3A, %add3A_412 : vector<16xi32>
      %and3A_414 = arith.constant 15 : i32
      %and3A_415 = vector.broadcast %and3A_414 : i32 to vector<16xi32>
      %and3A_416 = arith.andi %add3A_413, %and3A_415 : vector<16xi32>
      %gather3A_417 = tpu.vector_load_idx %arg9[%add3A_321, %and3A_416] : memref<512x16xf32, #tpu.memory_space<vmem>>[vector<16xi32>, vector<16xi32>], vector<16xf32>,
      %gather3A_418 = tpu.vector_load_idx %arg10[%add3A_321, %and3A_416] : memref<512x16xf32, #tpu.memory_space<vmem>>[vector<16xi32>, vector<16xi32>], vector<16xf32>,
      %mul3A_419 = arith.mulf %gather3A_417, %gather3A_418 : vector<16xf32>
      %add3A_420 = arith.addf %add3A_410, %mul3A_419 : vector<16xf32>
      %add3A_421 = arith.constant 10 : i32
      %add3A_422 = vector.broadcast %add3A_421 : i32 to vector<16xi32>
      %add3A_423 = arith.addi %iota3A, %add3A_422 : vector<16xi32>
      %and3A_424 = arith.constant 15 : i32
      %and3A_425 = vector.broadcast %and3A_424 : i32 to vector<16xi32>
      %and3A_426 = arith.andi %add3A_423, %and3A_425 : vector<16xi32>
      %gather3A_427 = tpu.vector_load_idx %arg9[%add3A_321, %and3A_426] : memref<512x16xf32, #tpu.memory_space<vmem>>[vector<16xi32>, vector<16xi32>], vector<16xf32>,
      %gather3A_428 = tpu.vector_load_idx %arg10[%add3A_321, %and3A_426] : memref<512x16xf32, #tpu.memory_space<vmem>>[vector<16xi32>, vector<16xi32>], vector<16xf32>,
      %mul3A_429 = arith.mulf %gather3A_427, %gather3A_428 : vector<16xf32>
      %add3A_430 = arith.addf %add3A_420, %mul3A_429 : vector<16xf32>
      %add3A_431 = arith.constant 11 : i32
      %add3A_432 = vector.broadcast %add3A_431 : i32 to vector<16xi32>
      %add3A_433 = arith.addi %iota3A, %add3A_432 : vector<16xi32>
      %and3A_434 = arith.constant 15 : i32
      %and3A_435 = vector.broadcast %and3A_434 : i32 to vector<16xi32>
      %and3A_436 = arith.andi %add3A_433, %and3A_435 : vector<16xi32>
      %gather3A_437 = tpu.vector_load_idx %arg9[%add3A_321, %and3A_436] : memref<512x16xf32, #tpu.memory_space<vmem>>[vector<16xi32>, vector<16xi32>], vector<16xf32>,
      %gather3A_438 = tpu.vector_load_idx %arg10[%add3A_321, %and3A_436] : memref<512x16xf32, #tpu.memory_space<vmem>>[vector<16xi32>, vector<16xi32>], vector<16xf32>,
      %mul3A_439 = arith.mulf %gather3A_437, %gather3A_438 : vector<16xf32>
      %add3A_440 = arith.addf %add3A_430, %mul3A_439 : vector<16xf32>
      %add3A_441 = arith.constant 12 : i32
      %add3A_442 = vector.broadcast %add3A_441 : i32 to vector<16xi32>
      %add3A_443 = arith.addi %iota3A, %add3A_442 : vector<16xi32>
      %and3A_444 = arith.constant 15 : i32
      %and3A_445 = vector.broadcast %and3A_444 : i32 to vector<16xi32>
      %and3A_446 = arith.andi %add3A_443, %and3A_445 : vector<16xi32>
      %gather3A_447 = tpu.vector_load_idx %arg9[%add3A_321, %and3A_446] : memref<512x16xf32, #tpu.memory_space<vmem>>[vector<16xi32>, vector<16xi32>], vector<16xf32>,
      %gather3A_448 = tpu.vector_load_idx %arg10[%add3A_321, %and3A_446] : memref<512x16xf32, #tpu.memory_space<vmem>>[vector<16xi32>, vector<16xi32>], vector<16xf32>,
      %mul3A_449 = arith.mulf %gather3A_447, %gather3A_448 : vector<16xf32>
      %add3A_450 = arith.addf %add3A_440, %mul3A_449 : vector<16xf32>
      %add3A_451 = arith.constant 13 : i32
      %add3A_452 = vector.broadcast %add3A_451 : i32 to vector<16xi32>
      %add3A_453 = arith.addi %iota3A, %add3A_452 : vector<16xi32>
      %and3A_454 = arith.constant 15 : i32
      %and3A_455 = vector.broadcast %and3A_454 : i32 to vector<16xi32>
      %and3A_456 = arith.andi %add3A_453, %and3A_455 : vector<16xi32>
      %gather3A_457 = tpu.vector_load_idx %arg9[%add3A_321, %and3A_456] : memref<512x16xf32, #tpu.memory_space<vmem>>[vector<16xi32>, vector<16xi32>], vector<16xf32>,
      %gather3A_458 = tpu.vector_load_idx %arg10[%add3A_321, %and3A_456] : memref<512x16xf32, #tpu.memory_space<vmem>>[vector<16xi32>, vector<16xi32>], vector<16xf32>,
      %mul3A_459 = arith.mulf %gather3A_457, %gather3A_458 : vector<16xf32>
      %add3A_460 = arith.addf %add3A_450, %mul3A_459 : vector<16xf32>
      %add3A_461 = arith.constant 14 : i32
      %add3A_462 = vector.broadcast %add3A_461 : i32 to vector<16xi32>
      %add3A_463 = arith.addi %iota3A, %add3A_462 : vector<16xi32>
      %and3A_464 = arith.constant 15 : i32
      %and3A_465 = vector.broadcast %and3A_464 : i32 to vector<16xi32>
      %and3A_466 = arith.andi %add3A_463, %and3A_465 : vector<16xi32>
      %gather3A_467 = tpu.vector_load_idx %arg9[%add3A_321, %and3A_466] : memref<512x16xf32, #tpu.memory_space<vmem>>[vector<16xi32>, vector<16xi32>], vector<16xf32>,
      %gather3A_468 = tpu.vector_load_idx %arg10[%add3A_321, %and3A_466] : memref<512x16xf32, #tpu.memory_space<vmem>>[vector<16xi32>, vector<16xi32>], vector<16xf32>,
      %mul3A_469 = arith.mulf %gather3A_467, %gather3A_468 : vector<16xf32>
      %add3A_470 = arith.addf %add3A_460, %mul3A_469 : vector<16xf32>
      %add3A_471 = arith.constant 15 : i32
      %add3A_472 = vector.broadcast %add3A_471 : i32 to vector<16xi32>
      %add3A_473 = arith.addi %iota3A, %add3A_472 : vector<16xi32>
      %and3A_474 = arith.constant 15 : i32
      %and3A_475 = vector.broadcast %and3A_474 : i32 to vector<16xi32>
      %and3A_476 = arith.andi %add3A_473, %and3A_475 : vector<16xi32>
      %gather3A_477 = tpu.vector_load_idx %arg9[%add3A_321, %and3A_476] : memref<512x16xf32, #tpu.memory_space<vmem>>[vector<16xi32>, vector<16xi32>], vector<16xf32>,
      %gather3A_478 = tpu.vector_load_idx %arg10[%add3A_321, %and3A_476] : memref<512x16xf32, #tpu.memory_space<vmem>>[vector<16xi32>, vector<16xi32>], vector<16xf32>,
      %mul3A_479 = arith.mulf %gather3A_477, %gather3A_478 : vector<16xf32>
      %add3A_480 = arith.addf %add3A_470, %mul3A_479 : vector<16xf32>
      %mul3A_481 = arith.constant 16 : i32
      %mul3A_482 = arith.muli %scan3A_317, %mul3A_481 : i32
      %swap3A = arith.index_cast %mul3A_482 : i32 to index
      %swap3A_483 = tpu.vector_load %arg11[%swap3A] {strides = array<i32>} : memref<512xf32, #tpu.memory_space<vmem>>, vector<16xf32>,
      tpu.vector_store %arg11[%swap3A], %add3A_480 {strides = array<i32>} : memref<512xf32, #tpu.memory_space<vmem>>, vector<16xf32>,
    }
    %scan3A_316 = arith.constant 32 : i32
    "tpu.region"() ({
      %run_scoped3A = tpu.sem_alloc : memref<!tpu.dma_semaphore, #tpu.memory_space<semaphore_mem>>
      %dma_start3A_317 = tpu.memref_slice %arg6[%mul3A_2] : memref<16384xf32, #tpu.memory_space<hbm>> -> memref<512xf32, #tpu.memory_space<hbm>>
      %dma_start3A_318 = tpu.memref_slice %arg6[%mul3A_2] : memref<16384xf32, #tpu.memory_space<hbm>> -> memref<512xf32, #tpu.memory_space<hbm>>
      tpu.enqueue_dma source(%arg11 : memref<512xf32, #tpu.memory_space<vmem>>) target(%dma_start3A_318 : memref<512xf32, #tpu.memory_space<hbm>>) target_semaphore(%run_scoped3A : memref<!tpu.dma_semaphore, #tpu.memory_space<semaphore_mem>>)
      %dma_wait3A_319 = tpu.memref_slice %arg6[%mul3A_2] : memref<16384xf32, #tpu.memory_space<hbm>> -> memref<512xf32, #tpu.memory_space<hbm>>
      %dma_wait3A_320 = tpu.memref_slice %arg6[%mul3A_2] : memref<16384xf32, #tpu.memory_space<hbm>> -> memref<512xf32, #tpu.memory_space<hbm>>
      tpu.wait_dma2 semaphore(%run_scoped3A : memref<!tpu.dma_semaphore, #tpu.memory_space<semaphore_mem>>) src(%arg11 : memref<512xf32, #tpu.memory_space<vmem>>) dst(%dma_wait3A_320 : memref<512xf32, #tpu.memory_space<hbm>>)
      tpu.yield
    }) : () -> ()
    return
  }
}

</mosaic_0001>

<sc_bundles>
// kernel: kernel.3.cloned.1.call-start
scs
__scs_entry_jumppad:
0x0: {  	(pc) =	sbr.rel $0x88, $3  }
0x1: {  	(tag) =	ssettag $0x0;
	lr =	simm.s32 $0x1  }
0x2: {  	[smem:$0x3F9D] =	sst lr;
	_ =	strace $0xD0000000  }
0x3: {  	_ = 	snop  }
0x4: {  	_ = 	snop  }
0x5: {  	_ = 	snop  }
0x6: {  	_ = 	snop  }
0x7: {  	_ = 	snop  }
__scs_overlays_trampoline_lowered:
0x8: {  	[smem:$0x3FAC] =	sst s0  }
0x9: {  	[smem:$0x3FAD] =	sst s1  }
0xa: {  	[smem:$0x3FAE] =	sst s2  }
0xb: {  	[smem:$0x3FAF] =	sst s3  }
0xc: {  	[smem:$0x3FB0] =	sst s4  }
0xd: {  	[smem:$0x3FB1] =	sst s5  }
0xe: {  	[smem:$0x3FB2] =	sst s6  }
0xf: {  	[smem:$0x3FB3] =	sst s7  }
0x10: {  	[smem:$0x3FB4] =	sst s8  }
0x11: {  	[smem:$0x3FB5] =	sst s9;
	s0 =	simm.s32 @!p0 $0x0  }
0x12: {  	s1 =	sld [smem:$0x3F9B];
	s0 =	simm.s32 @p0 $0x1  }
0x13: {  	[smem:$0x3FB6] =	sst s0;
	s0 =	simm.s32 @!p1 $0x0  }
0x14: {  	s2 =	sld [smem:$0x3F9A];
	s0 =	simm.s32 @p1 $0x1  }
0x15: {  	[smem:$0x3FB7] =	sst s0;
	s0 =	simm.s32 @!p2 $0x0  }
0x16: {  	s3 =	sld [smem:$0x3FDB];
	s0 =	simm.s32 @p2 $0x1  }
0x17: {  	s4 =	simm.s32 $0x1BF5;
	[smem:$0x3FB9] =	sst s0  }
0x18: {  	s0 =	sld [smem:$0x3F9C];
	_ =	swait.ge [sflag:s4], $0x0  }
0x19: {  	s7 =	sld [smem:$0x3F9D]  }
0x1a: {  	s8 =	sadd.s32 $0xFFFFE003, lr  }
0x1b: {  	s9 =	sadd.s32 $0xFFFFFEF7, lr;
	s5 =	simm.s32 $0xFFFFFFFF;
	p2 =	slt.u32 s8, $0xFFFFF086  }
0x1c: {  	p1 =	slt.u32 s9, $0xF7A;
	s5 =	simm.s32 @!p2 $0x0  }
0x1d: {  	s5 =	simm.s32 @p1 $0x1;
	p0 =	seq.s32 s7, s2  }
0x1e: {  	s7 =	smul.u32 @!p0 $0xF7A, s2;
	p2 =	seq.s32 @!p0 s5, $0x0  }
0x1f: {  	s9 =	smul.u32 $0xF7A, s1;
	s8 =	simm.s32 @!p0 $0x1BF5;
	p2 =	por !p2, p0  }
0x20: {  	[sflag:s8] =	ssyncset.s32 @!p0 $0xFFFFF086;
	s6 =	sadd.s32 @!p0 s3, s7;
	s7 =	simm.s32 @!p0 $0x108  }
0x21: {  	s3 =	sadd.s32 s3, s9;
	s6 =	sadd.s32 @!p0 $0x88, s6;
	s7 =	simm.s32 @p2 $0x1082  }
0x22: {  	[simem:s7], [sflag:s8] =	dma.local @!p0 [hbm:s6], $0xF7A  }
0x23: {  	s9 =	sor.u32 $0xD0000000, s2;
	s6 =	simm.s32 $0x108;
	_ =	swait.ge @!p0 [sflag:s8], $0x0  }
0x24: {  	s3 =	sadd.s32 $0x88, s3;
	s6 =	simm.s32 @!p1 $0x1082;
	[sflag:s4] =	ssyncset.s32 $0xFFFFF086  }
0x25: {  	[simem:s6], [sflag:s4] =	dma.local [hbm:s3], $0xF7A  }
0x26: {  	[smem:$0x3F9D] =	sst s1;
	(tag) =	ssettag s2;
	_ =	strace s9  }
0x27: {  	s1 =	sld [smem:$0x3FAD]  }
0x28: {  	s2 =	sld [smem:$0x3FAE]  }
0x29: {  	s4 =	sld [smem:$0x3FB0]  }
0x2a: {  	p0 =	seq.s32 s5, $0x0;
	s5 =	sld [smem:$0x3FB1]  }
0x2b: {  	s6 =	sld [smem:$0x3FB2]  }
0x2c: {  	s7 =	sld [smem:$0x3FB3]  }
0x2d: {  	s3 =	simm.s32 $0x108;
	s8 =	sld [smem:$0x3FB4]  }
0x2e: {  	s3 =	simm.s32 @!p0 $0x1082;
	s9 =	sld [smem:$0x3FB5]  }
0x2f: {  	lr =	sadd.s32 s0, s3;
	s0 =	sld [smem:$0x3FAC]  }
0x30: {  	s3 =	sld [smem:$0x3FAF]  }
0x31: {  	[smem:$0x3FB8] =	sst s10  }
0x32: {  	s10 =	sld [smem:$0x3FB6];
	_ =	sdelay $0x3  }
0x33: {  	p0 =	seq.s32 s10, $0x1;
	s10 =	sld [smem:$0x3FB8];
	_ =	sdelay $0x3  }
0x34: {  	[smem:$0x3FB8] =	sst s10  }
0x35: {  	s10 =	sld [smem:$0x3FB7];
	_ =	sdelay $0x3  }
0x36: {  	p1 =	seq.s32 s10, $0x1;
	s10 =	sld [smem:$0x3FB8];
	_ =	sdelay $0x3  }
0x37: {  	[smem:$0x3FB8] =	sst s10  }
0x38: {  	s10 =	sld [smem:$0x3FB9]  }
0x39: {  	_ = 	snop;
	(pc) =	sbr.ind lr, $3  }
0x3a: {  	_ = 	snop  }
0x3b: {  	_ = 	snop  }
0x3c: {  	p2 =	seq.s32 s10, $0x1;
	s10 =	sld [smem:$0x3FB8]  }
0x3d: {  	_ =	shalt  }
0x3e: {  	_ =	shalt  }
0x3f: {  	_ =	shalt  }
0x40: {  	_ =	shalt  }
0x41: {  	_ =	shalt  }
0x42: {  	_ =	shalt  }
0x43: {  	_ =	shalt  }
0x44: {  	_ =	shalt  }
0x45: {  	_ =	shalt  }
0x46: {  	_ =	shalt  }
0x47: {  	_ =	shalt  }
0x48: {  	_ =	shalt  }
0x49: {  	_ =	shalt  }
0x4a: {  	_ =	shalt  }
0x4b: {  	_ =	shalt  }
0x4c: {  	_ =	shalt  }
0x4d: {  	_ =	shalt  }
0x4e: {  	_ =	shalt  }
0x4f: {  	_ =	shalt  }
0x50: {  	_ =	shalt  }
0x51: {  	_ =	shalt  }
0x52: {  	_ =	shalt  }
0x53: {  	_ =	shalt  }
0x54: {  	_ =	shalt  }
0x55: {  	_ =	shalt  }
0x56: {  	_ =	shalt  }
0x57: {  	_ =	shalt  }
0x58: {  	_ =	shalt  }
0x59: {  	_ =	shalt  }
0x5a: {  	_ =	shalt  }
0x5b: {  	_ =	shalt  }
0x5c: {  	_ =	shalt  }
0x5d: {  	_ =	shalt  }
0x5e: {  	_ =	shalt  }
0x5f: {  	_ =	shalt  }
0x60: {  	_ =	shalt  }
0x61: {  	_ =	shalt  }
0x62: {  	_ =	shalt  }
0x63: {  	_ =	shalt  }
0x64: {  	_ =	shalt  }
0x65: {  	_ =	shalt  }
0x66: {  	_ =	shalt  }
0x67: {  	_ =	shalt  }
0x68: {  	_ =	shalt  }
0x69: {  	_ =	shalt  }
0x6a: {  	_ =	shalt  }
0x6b: {  	_ =	shalt  }
0x6c: {  	_ =	shalt  }
0x6d: {  	_ =	shalt  }
0x6e: {  	_ =	shalt  }
0x6f: {  	_ =	shalt  }
0x70: {  	_ =	shalt  }
0x71: {  	_ =	shalt  }
0x72: {  	_ =	shalt  }
0x73: {  	_ =	shalt  }
0x74: {  	_ =	shalt  }
0x75: {  	_ =	shalt  }
0x76: {  	_ =	shalt  }
0x77: {  	_ =	shalt  }
0x78: {  	_ =	shalt  }
0x79: {  	_ =	shalt  }
0x7a: {  	_ =	shalt  }
0x7b: {  	_ =	shalt  }
0x7c: {  	_ =	shalt  }
0x7d: {  	_ =	shalt  }
0x7e: {  	_ =	shalt  }
0x7f: {  	_ =	shalt  }
0x80: {  	_ =	shalt  }
0x81: {  	_ =	shalt  }
0x82: {  	_ =	shalt  }
0x83: {  	_ =	shalt  }
0x84: {  	_ =	shalt  }
0x85: {  	_ =	shalt  }
0x86: {  	_ =	shalt  }
0x87: {  	_ =	shalt  }
.Lfunc_end0:
.L_simem_size_0:
called_computation_lowered:
.L_overlay_start_0:
0x88: {  	s2 =	sld [smem:$0x3FD9]  }
0x89: {  	s3 =	sld [smem:$0x3FFE];
	_ =	sdelay $0x1  }
0x8a: {  	s1 =	srdreg.scid  }
0x8b: {  	s0 =	sand.u32 $0x1, s1  }
0x8c: {  	s17 =	sshll.u32 s0, $0xA;
	s2 =	sadd.s32 s3, s2  }
0x8d: {  	s2 =	sadd.s32 s2, s17  }
0x8e: {  	[smem:$0x3FC4] =	sst s2  }
0x8f: {  	_ = 	snop  }
0x90: {  	s2 =	sld [smem:$0x3FC9]  }
0x91: {  	s18 =	sld [smem:$0x3FC8]  }
0x92: {  	s4 =	sld [smem:$0x3FD0];
	(tm) =	ssettm $0x1  }
0x93: {  	s5 =	sld [smem:$0x3FFB];
	_ =	sdelay $0x3  }
0x94: {  	_ =	strace s5  }
0x95: {  	s5 =	sld [smem:$0x3FFC];
	_ =	sdelay $0x3  }
0x96: {  	_ =	strace s5  }
0x97: {  	s5 =	sld [smem:$0x3FFD];
	_ =	sdelay $0x3  }
0x98: {  	_ =	strace s5  }
0x99: {  	_ =	strace $0x8FFFFFFF  }
0x9a: {  	s19 =	sld [smem:$0x3FDB];
	_ =	sdelay $0x1  }
0x9b: {  	s6 =	simm.s32 $_scs_section_size  }
0x9c: {  	s7 =	simm.s32 $_size__tile_overlayer_lowered;
	s8 =	simm.s32 $_tile_overlayer_lowered  }
0x9d: {  	s22 =	simm.s32 $0x1BFF;
	s21 =	sshll.u32 s8, $0x1;
	s5 =	sadd.s32 s6, s19  }
0x9e: {  	s9 =	simm.s32 $0x0;
	s20 =	sshll.u32 s7, $0x1;
	s7 =	sadd.s32 s21, s5  }
0x9f: {  	[timem:s9], [sflag:s22] =	dma.local [hbm:s7], s20  }
0xa0: {  	_ =	swait.ge [sflag:s22], s20  }
0xa1: {  	s6 =	ssub.s32 $0x0, s20;
	[sflag:s22] =	ssyncset.done $0x0  }
0xa2: {  	[sflag:s22] =	ssyncadd.s32 s6;
	_ =	sdelay $0x1  }
0xa3: {  	s23 =	simm.s32 $0x1B8B  }
0xa4: {  	_ =	swait.ge [sflag:s23], $0x1  }
0xa5: {  	[sflag:s23] =	ssyncset.done $0x0  }
0xa6: {  	s25 =	simm.s32 $0x1B8E;
	s24 =	sld [smem:$0x3FFE];
	[sflag:s23] =	ssyncadd.s32 $0xFFFFFFFF  }
0xa7: {  	s26 =	simm.s32 $execute0_lowered;
	[smem:$0x3FD2] =	sst s25  }
0xa8: {  	s7 =	sshll.u32 s26, $0x1;
	_ =	strace $0x80000046;
	[dreg:$0x1] =	wrdreg $0xFFFFFFFF  }
0xa9: {  	s28 =	simm.s32 $_size_execute0_lowered;
	s5 =	sadd.s32 s5, s7;
	[dreg:$0x0] =	wrdreg $0x0  }
0xaa: {  	s7 =	sshll.u32 s28, $0x1;
	[dreg:$0x2] =	wrdreg s5  }
0xab: {  	[dreg:$0x3] =	wrdreg s7  }
0xac: {  	[dreg:$0x4] =	wrdreg $0xC0  }
0xad: {  	_ =	task [dreg:s9], $0x5FFFF  }
0xae: {  	[dreg:$0x1] =	wrdreg $0xFFFFFFFF  }
0xaf: {  	[dreg:$0x0] =	wrdreg $0x60  }
0xb0: {  	[dreg:$0x2] =	wrdreg s2  }
0xb1: {  	[dreg:$0x3] =	wrdreg s18  }
0xb2: {  	[dreg:$0x4] =	wrdreg s24  }
0xb3: {  	[dreg:$0x5] =	wrdreg s4  }
0xb4: {  	[dreg:$0x6] =	wrdreg $0x9  }
0xb5: {  	_ =	task.clear_ibuf [dreg:s9], $0x7FFFF;
	_ =	strace $0x90000046  }
0xb6: {  	s29 =	simm.s32 $0x9;
	_ =	strace $0x80000048  }
0xb7: {  	_ =	swait.ge [sflag:s29], $0x1  }
0xb8: {  	[sflag:s29] =	ssyncadd.s32 $0xFFFFFFFF  }
0xb9: {  	_ =	strace $0x90000048  }
0xba: {  	_ =	sfence  }
0xbb: {  	s30 =	sld [smem:$0x0];
	_ =	sdelay $0x2  }
0xbc: {  	s31 =	sshll.u32 s1, $0xD;
	s1 =	sshrl.u32 s1, $0x2  }
0xbd: {  	s3 =	sand.u32 $0x4000, s31;
	s1 =	sadd.s32 s1, s30  }
0xbe: {  	s0 =	sor.u32 s3, s0;
	s1 =	sshll.u32 s1, $0x11  }
0xbf: {  	s0 =	sor.u32 s1, s0  }
0xc0: {  	s0 =	sadd.s32 $0x8F2B, s0  }
0xc1: {  	[sflag:s0] =	ssyncadd.remote.s32 $0x1  }
0xc2: {  	_ =	sfence.sel $0xFFFF  }
0xc3: {  	[dreg:$0x0] =	wrdreg $0xFFFFFFFF;
	(pc) =	sbr.abs _section_cstart, $3  }
0xc4: {  	[dreg:$0x1] =	wrdreg $0xFFFFFFFF  }
0xc5: {  	_ =	task.clear_ibuf [dreg:s9], $0x2FFFF;
	_ =	strace $0x9FFFFFFF  }
0xc6: {  	(tm) =	ssettm $0x7FFFFFFF  }
0xc7: {  	_ =	shalt  }
tec
execute0_lowered:
.L_overlay_start_1:
0x0: {  	(tag) =	ssettag $0x1  }
0x1: {  	v1 =	vimm.s32 $0xFEDCBA9;
	v0 =	vlaneseq.u32  }
0x2: {  	v3 =	vimm.s32 $0x87654321;
	v4 =	vimm.s32 $0x98765432;
	v5 =	vimm.s32 $0x210FEDCB  }
0x3: {  	v6 =	vimm.s32 $0xA9876543;
	v16 =	vimm.s32 $0xCBA98765;
	v18 =	vimm.s32 $0x6543210F  }
0x4: {  	v19 =	vimm.s32 $0xEDCBA987;
	v20 =	vimm.s32 $0xFEDCBA98;
	v21 =	vimm.s32 $0x76543210  }
0x5: {  	v2 =	vunpack.c.l.s4.s8 v1;
	v1 =	vmul.u32 $0x10, v0;
	v4 =	vunpack.c.l.s4.s8 v4  }
0x6: {  	v5 =	vunpack.c.l.s4.s8 v5;
	v18 =	vunpack.c.l.s4.s8 v18;
	v19 =	vunpack.c.l.s4.s8 v19  }
0x7: {  	v20 =	vunpack.c.l.s4.s8 v20;
	v8 =	vunpack.c.0.s8.s32 v2;
	v2 =	vunpack.c.l.s4.s8 v3  }
0x8: {  	v3 =	vimm.s32 $0x10FEDCBA;
	v11 =	vunpack.c.0.s8.s32 v4;
	v12 =	vunpack.c.0.s8.s32 v5  }
0x9: {  	v18 =	vunpack.c.0.s8.s32 v18;
	v19 =	vunpack.c.0.s8.s32 v19;
	v3 =	vunpack.c.l.s4.s8 v3  }
0xa: {  	s0 =	rddreg [dreg:$0x0];
	v20 =	vunpack.c.0.s8.s32 v20;
	v9 =	vunpack.c.0.s8.s32 v2;
	v2 =	vunpack.c.l.s4.s8 v6  }
0xb: {  	s2 =	rddreg [dreg:$0x1];
	v24 =	vcombine.low v19, v18;
	v10 =	vunpack.c.0.s8.s32 v3;
	v3 =	vimm.s32 $0x3210FEDC  }
0xc: {  	s4 =	rddreg [dreg:$0x2];
	v20 =	vand.u32 $0xF, v20;
	v13 =	vunpack.c.0.s8.s32 v2;
	v2 =	vunpack.c.l.s4.s8 v3  }
0xd: {  	s13 =	rddreg [dreg:$0x3];
	s1 =	simm.s32 $0x0;
	v3 =	vimm.s32 $0xBA987654;
	v4 =	vcombine.low v9, v8;
	v63 =	vcombine.low v8, v9  }
0xe: {  	s5 =	srdreg.scid;
	s7 =	stileid.u32;
	s16 =	simm.s32 $0x80;
	v9 =	vand.u32 $0xF, v24;
	v5 =	vcombine.low v11, v10;
	v3 =	vunpack.c.l.s4.s8 v3  }
0xf: {  	s17 =	simm.s32 $0x280;
	s18 =	simm.s32 $0x100;
	s19 =	simm.s32 $0x300;
	v11 =	vcombine.low v10, v11;
	v6 =	vcombine.low v13, v12;
	v14 =	vunpack.c.0.s8.s32 v2  }
0x10: {  	s20 =	simm.s32 $0x180;
	s21 =	simm.s32 $0x380;
	s22 =	simm.s32 $0x1;
	v2 =	vimm.s32 $0x43210FED;
	v12 =	vcombine.low v12, v13;
	v15 =	vunpack.c.0.s8.s32 v3  }
0x11: {  	s23 =	simm.s32 $0x400;
	s24 =	simm.s32 $0x2400;
	s29 =	simm.s32 $0x3400;
	v7 =	vunpack.c.l.s4.s8 v2;
	v3 =	vand.u32 $0xF, v5;
	v5 =	vunpack.c.l.s4.s8 v16  }
0x12: {  	s30 =	simm.s32 $0x1C00;
	s31 =	simm.s32 $0x3C00;
	s25 =	simm.s32 $0x0;
	v10 =	vand.u32 $0xF, v63;
	v2 =	vand.u32 $0xF, v4;
	v11 =	vand.u32 $0xF, v11  }
0x13: {  	[smem:$0x7FF] =	sst s1;
	s3 =	sadd.s32 $0xF42800, s4;
	s5 =	sand.u32 $0x1, s5;
	v4 =	vand.u32 $0xF, v6;
	v16 =	vunpack.c.0.s8.s32 v7;
	v17 =	vunpack.c.0.s8.s32 v5  }
0x14: {  	s7 =	sshll.u32 s7, $0x7;
	s6 =	ssub.s32 $0x2, s5;
	s5 =	sshll.u32 s5, $0x6;
	v5 =	vimm.s32 $0x543210FE;
	v7 =	vimm.s32 $0xDCBA9876;
	v13 =	vcombine.low v14, v15  }
0x15: {  	s4 =	sadd.s32 $0x112AE00, s4;
	s8 =	sshrl.u32 s6, $0x1;
	s14 =	sor.u32 s5, s7;
	v12 =	vand.u32 $0xF, v12;
	v5 =	vunpack.c.l.s4.s8 v5;
	v7 =	vunpack.c.l.s4.s8 v7  }
0x16: {  	_ =	strace $0x80000047;
	s15 =	ssub.s32 s6, s8;
	s5 =	sadd.s32 s0, s14;
	v6 =	vcombine.low v15, v14;
	v14 =	vcombine.low v16, v17;
	v13 =	vand.u32 $0xF, v13  }
0x17: {  	s28 =	sor.u32 $0x10, s14;
	s6 =	sadd.s32 s2, s14;
	s10 =	sor.u32 $0x20, s14;
	v22 =	vunpack.c.0.s8.s32 v5;
	v23 =	vunpack.c.0.s8.s32 v7;
	v7 =	vunpack.c.l.s4.s8 v21  }
0x18: {  	s12 =	sor.u32 $0x30, s14;
	s13 =	sadd.s32 s13, s14;
	s7 =	sadd.s32 s0, s28;
	v5 =	vand.u32 $0xF, v6;
	v6 =	vcombine.low v17, v16;
	v16 =	vcombine.low v18, v19  }
0x19: {  	s8 =	sadd.s32 s2, s28;
	s9 =	sadd.s32 s0, s10;
	s10 =	sadd.s32 s2, s10;
	v7 =	vunpack.c.0.s8.s32 v7;
	v62 =	vcombine.low v23, v22;
	v15 =	vcombine.low v22, v23  }
0x1a: {  	s11 =	sadd.s32 s0, s12;
	s12 =	sadd.s32 s2, s12;
	s14 =	smax.u32 s15, $0x1;
	v14 =	vand.u32 $0xF, v14;
	v6 =	vand.u32 $0xF, v6;
	v16 =	vand.u32 $0xF, v16  }
0x1b: {  	s15 =	simm.s32 $0x200;
	s0 =	simm.s32 $0x4400;
	s2 =	simm.s32 $0x2;
	v7 =	vcombine.low v20, v7;
	v8 =	vand.u32 $0xF, v62;
	v15 =	vand.u32 $0xF, v15  }
.LBB2_1:
0x1c: {  	[tilespmem:s1], [sflag:$0x1] =	stream.linear.gather [hbm4b:s5+s1], $0x80, $0x38;
	[tilespmem:$0x4600] =	vst v63  }
0x1d: {  	_ = 	snop  }
0x1e: {  	[tilespmem:s15], [sflag:$0x1] =	stream.linear.gather [hbm4b:s6+s1], $0x80, $0x38;
	[tilespmem:$0x4600] =	vst v63  }
0x1f: {  	_ = 	snop  }
0x20: {  	[tilespmem:s16], [sflag:$0x1] =	stream.linear.gather [hbm4b:s7+s1], $0x80, $0x38;
	[tilespmem:$0x4600] =	vst v63  }
0x21: {  	_ = 	snop  }
0x22: {  	[tilespmem:s17], [sflag:$0x1] =	stream.linear.gather [hbm4b:s8+s1], $0x80, $0x38;
	[tilespmem:$0x4600] =	vst v63  }
0x23: {  	_ = 	snop  }
0x24: {  	[tilespmem:s18], [sflag:$0x1] =	stream.linear.gather [hbm4b:s9+s1], $0x80, $0x38;
	[tilespmem:$0x4600] =	vst v63  }
0x25: {  	_ = 	snop  }
0x26: {  	[tilespmem:s19], [sflag:$0x1] =	stream.linear.gather [hbm4b:s10+s1], $0x80, $0x38;
	[tilespmem:$0x4600] =	vst v63  }
0x27: {  	_ = 	snop  }
0x28: {  	[tilespmem:s20], [sflag:$0x1] =	stream.linear.gather [hbm4b:s11+s1], $0x80, $0x38;
	[tilespmem:$0x4600] =	vst v63  }
0x29: {  	_ = 	snop  }
0x2a: {  	[tilespmem:s21], [sflag:$0x1] =	stream.linear.gather [hbm4b:s12+s1], $0x80, $0x38;
	[tilespmem:$0x4600] =	vst v63  }
0x2b: {  	_ =	swait.ge [sflag:s22], $0x80  }
0x2c: {  	[sflag:s22] =	ssyncset.done $0x0  }
0x2d: {  	[sflag:s22] =	ssyncadd.s32 $0xFFFFFF80  }
0x2e: {  	_ =	swait.ge [sflag:s22], $0x80  }
0x2f: {  	[sflag:s22] =	ssyncset.done $0x0  }
0x30: {  	[sflag:s22] =	ssyncadd.s32 $0xFFFFFF80  }
0x31: {  	_ =	swait.ge [sflag:s22], $0x80  }
0x32: {  	[sflag:s22] =	ssyncset.done $0x0  }
0x33: {  	[sflag:s22] =	ssyncadd.s32 $0xFFFFFF80  }
0x34: {  	_ =	swait.ge [sflag:s22], $0x80  }
0x35: {  	[sflag:s22] =	ssyncset.done $0x0  }
0x36: {  	[sflag:s22] =	ssyncadd.s32 $0xFFFFFF80  }
0x37: {  	_ =	swait.ge [sflag:s22], $0x80  }
0x38: {  	[sflag:s22] =	ssyncset.done $0x0  }
0x39: {  	[sflag:s22] =	ssyncadd.s32 $0xFFFFFF80  }
0x3a: {  	_ =	swait.ge [sflag:s22], $0x80  }
0x3b: {  	[sflag:s22] =	ssyncset.done $0x0  }
0x3c: {  	[sflag:s22] =	ssyncadd.s32 $0xFFFFFF80  }
0x3d: {  	_ =	swait.ge [sflag:s22], $0x80  }
0x3e: {  	[sflag:s22] =	ssyncset.done $0x0  }
0x3f: {  	[sflag:s22] =	ssyncadd.s32 $0xFFFFFF80  }
0x40: {  	_ =	swait.ge [sflag:s22], $0x80  }
0x41: {  	[sflag:s22] =	ssyncset.done $0x0  }
0x42: {  	[sflag:s22] =	ssyncadd.s32 $0xFFFFFF80  }
0x43: {  	[tilespmem:s23], [sflag:$0x1] =	stream.indirect.gather [hbm4b:s4+s16], $0x10, s1, s16, $0xb8;
	[tilespmem:$0x4600] =	vst v63  }
0x44: {  	_ = 	snop  }
0x45: {  	[tilespmem:s24], [sflag:$0x1] =	stream.indirect.gather [hbm4b:s3+s16], $0x10, s15, s16, $0xb8;
	[tilespmem:$0x4600] =	vst v63  }
0x46: {  	s26 =	simm.s32 $0xC00  }
0x47: {  	[tilespmem:s26], [sflag:$0x1] =	stream.indirect.gather [hbm4b:s4+s16], $0x10, s16, s16, $0xb8;
	[tilespmem:$0x4600] =	vst v63  }
0x48: {  	s26 =	simm.s32 $0x2C00  }
0x49: {  	[tilespmem:s26], [sflag:$0x1] =	stream.indirect.gather [hbm4b:s3+s16], $0x10, s17, s16, $0xb8;
	[tilespmem:$0x4600] =	vst v63  }
0x4a: {  	s26 =	simm.s32 $0x1400  }
0x4b: {  	[tilespmem:s26], [sflag:$0x1] =	stream.indirect.gather [hbm4b:s4+s16], $0x10, s18, s16, $0xb8;
	[tilespmem:$0x4600] =	vst v63  }
0x4c: {  	_ = 	snop  }
0x4d: {  	[tilespmem:s29], [sflag:$0x1] =	stream.indirect.gather [hbm4b:s3+s16], $0x10, s19, s16, $0xb8;
	[tilespmem:$0x4600] =	vst v63  }
0x4e: {  	_ = 	snop  }
0x4f: {  	[tilespmem:s30], [sflag:$0x1] =	stream.indirect.gather [hbm4b:s4+s16], $0x10, s20, s16, $0xb8;
	[tilespmem:$0x4600] =	vst v63  }
0x50: {  	_ = 	snop  }
0x51: {  	[tilespmem:s31], [sflag:$0x1] =	stream.indirect.gather [hbm4b:s3+s16], $0x10, s21, s16, $0xb8;
	[tilespmem:$0x4600] =	vst v63  }
0x52: {  	_ =	swait.ge [sflag:s22], $0x800  }
0x53: {  	[sflag:s22] =	ssyncset.done $0x0  }
0x54: {  	[sflag:s22] =	ssyncadd.s32 $0xFFFFF800  }
0x55: {  	_ =	swait.ge [sflag:s22], $0x800  }
0x56: {  	[sflag:s22] =	ssyncset.done $0x0  }
0x57: {  	[sflag:s22] =	ssyncadd.s32 $0xFFFFF800  }
0x58: {  	_ =	swait.ge [sflag:s22], $0x800  }
0x59: {  	[sflag:s22] =	ssyncset.done $0x0  }
0x5a: {  	[sflag:s22] =	ssyncadd.s32 $0xFFFFF800  }
0x5b: {  	_ =	swait.ge [sflag:s22], $0x800  }
0x5c: {  	[sflag:s22] =	ssyncset.done $0x0  }
0x5d: {  	[sflag:s22] =	ssyncadd.s32 $0xFFFFF800  }
0x5e: {  	_ =	swait.ge [sflag:s22], $0x800  }
0x5f: {  	[sflag:s22] =	ssyncset.done $0x0  }
0x60: {  	[sflag:s22] =	ssyncadd.s32 $0xFFFFF800  }
0x61: {  	_ =	swait.ge [sflag:s22], $0x800  }
0x62: {  	v17 =	vmov s1;
	[sflag:s22] =	ssyncset.done $0x0  }
0x63: {  	v17 =	vshll.u32 v17, $0x4;
	[sflag:s22] =	ssyncadd.s32 $0xFFFFF800  }
0x64: {  	v17 =	vor.u32 v1, v17;
	_ =	swait.ge [sflag:s22], $0x800  }
0x65: {  	v18 =	vor.u32 v0, v17;
	[sflag:s22] =	ssyncset.done $0x0  }
0x66: {  	[sflag:s22] =	ssyncadd.s32 $0xFFFFF800  }
0x67: {  	v19 =	vor.u32 v2, v17;
	_ =	swait.ge [sflag:s22], $0x800  }
0x68: {  	[sflag:s22] =	ssyncset.done $0x0  }
0x69: {  	v20 =	vor.u32 v3, v17;
	[sflag:s22] =	ssyncadd.s32 $0xFFFFF800  }
0x6a: {  	v21 =	vld.idx.msk [tilespmem:v18+s24+$0x0], $0xffff  }
0x6b: {  	v22 =	vor.u32 v4, v17;
	v18 =	vld.idx.msk [tilespmem:v18+s23+$0x0], $0xffff  }
0x6c: {  	v23 =	vld.idx.msk [tilespmem:v19+s23+$0x0], $0xffff  }
0x6d: {  	v24 =	vor.u32 v5, v17;
	v19 =	vld.idx.msk [tilespmem:v19+s24+$0x0], $0xffff  }
0x6e: {  	v25 =	vld.idx.msk [tilespmem:v20+s23+$0x0], $0xffff  }
0x6f: {  	v26 =	vor.u32 v6, v17;
	v20 =	vld.idx.msk [tilespmem:v20+s24+$0x0], $0xffff  }
0x70: {  	v27 =	vld.idx.msk [tilespmem:v22+s23+$0x0], $0xffff;
	v18 =	vmul.f32 v21, v18  }
0x71: {  	v21 =	vld.idx.msk [tilespmem:v22+s24+$0x0], $0xffff;
	v22 =	vor.u32 v8, v17  }
0x72: {  	v28 =	vld.idx.msk [tilespmem:v24+s23+$0x0], $0xffff;
	v19 =	vmul.f32 v19, v23;
	v18 =	vadd.f32 $0.0e+00, v18  }
0x73: {  	v61 =	vor.u32 v9, v17;
	v23 =	vld.idx.msk [tilespmem:v24+s24+$0x0], $0xffff  }
0x74: {  	v29 =	vld.idx.msk [tilespmem:v26+s23+$0x0], $0xffff;
	v18 =	vadd.f32 v19, v18;
	v19 =	vmul.f32 v20, v25  }
0x75: {  	v62 =	vor.u32 v7, v17;
	v20 =	vld.idx.msk [tilespmem:v26+s24+$0x0], $0xffff  }
0x76: {  	v63 =	vld.idx.msk [tilespmem:v22+s23+$0x0], $0xffff;
	v18 =	vadd.f32 v19, v18;
	v19 =	vmul.f32 v21, v27  }
0x77: {  	v21 =	vld.idx.msk [tilespmem:v22+s24+$0x0], $0xffff;
	v22 =	vor.u32 v10, v17  }
0x78: {  	v32 =	vld.idx.msk [tilespmem:v61+s23+$0x0], $0xffff;
	v18 =	vadd.f32 v19, v18;
	v19 =	vmul.f32 v23, v28  }
0x79: {  	v33 =	vor.u32 v11, v17;
	v23 =	vld.idx.msk [tilespmem:v61+s24+$0x0], $0xffff  }
0x7a: {  	v34 =	vld.idx.msk [tilespmem:v62+s23+$0x0], $0xffff;
	v18 =	vadd.f32 v19, v18;
	v19 =	vmul.f32 v20, v29  }
0x7b: {  	v35 =	vor.u32 v12, v17;
	v20 =	vld.idx.msk [tilespmem:v62+s24+$0x0], $0xffff  }
0x7c: {  	v36 =	vld.idx.msk [tilespmem:v22+s23+$0x0], $0xffff;
	v18 =	vadd.f32 v19, v18;
	v19 =	vmul.f32 v21, v63  }
0x7d: {  	v21 =	vld.idx.msk [tilespmem:v22+s24+$0x0], $0xffff;
	v22 =	vor.u32 v13, v17  }
0x7e: {  	v37 =	vld.idx.msk [tilespmem:v33+s23+$0x0], $0xffff;
	v18 =	vadd.f32 v19, v18;
	v19 =	vmul.f32 v23, v32  }
0x7f: {  	v38 =	vor.u32 v14, v17;
	v23 =	vld.idx.msk [tilespmem:v33+s24+$0x0], $0xffff  }
0x80: {  	v39 =	vld.idx.msk [tilespmem:v35+s23+$0x0], $0xffff;
	v18 =	vadd.f32 v19, v18;
	v19 =	vmul.f32 v20, v34  }
0x81: {  	v40 =	vor.u32 v15, v17;
	v20 =	vld.idx.msk [tilespmem:v35+s24+$0x0], $0xffff  }
0x82: {  	v41 =	vld.idx.msk [tilespmem:v22+s23+$0x0], $0xffff;
	v18 =	vadd.f32 v19, v18;
	v19 =	vmul.f32 v21, v36  }
0x83: {  	v17 =	vor.u32 v16, v17;
	v21 =	vld.idx.msk [tilespmem:v22+s24+$0x0], $0xffff  }
0x84: {  	v22 =	vld.idx.msk [tilespmem:v38+s23+$0x0], $0xffff;
	v18 =	vadd.f32 v19, v18;
	v19 =	vmul.f32 v23, v37  }
0x85: {  	v23 =	vld.idx.msk [tilespmem:v38+s24+$0x0], $0xffff  }
0x86: {  	v42 =	vld.idx.msk [tilespmem:v40+s23+$0x0], $0xffff;
	v18 =	vadd.f32 v19, v18;
	v19 =	vmul.f32 v20, v39  }
0x87: {  	v20 =	vld.idx.msk [tilespmem:v40+s24+$0x0], $0xffff  }
0x88: {  	v43 =	vld.idx.msk [tilespmem:v17+s23+$0x0], $0xffff;
	v18 =	vadd.f32 v19, v18;
	v19 =	vmul.f32 v21, v41  }
0x89: {  	v17 =	vld.idx.msk [tilespmem:v17+s24+$0x0], $0xffff  }
0x8a: {  	s26 =	simm.s32 $0x10;
	v18 =	vadd.f32 v19, v18;
	v19 =	vmul.f32 v23, v22  }
0x8b: {  	v21 =	vmov s26  }
0x8c: {  	v21 =	vshll.u32 v21, $0x4;
	v18 =	vadd.f32 v19, v18;
	v19 =	vmul.f32 v20, v42  }
0x8d: {  	v20 =	vor.u32 v1, v21  }
0x8e: {  	v17 =	vmul.f32 v17, v43;
	v21 =	vor.u32 v0, v20;
	v18 =	vadd.f32 v19, v18;
	_ =	sdelay $0x1  }
0x8f: {  	v19 =	vor.u32 v2, v20;
	v17 =	vadd.f32 v17, v18;
	_ =	sdelay $0x1  }
0x90: {  	v18 =	vor.u32 v3, v20;
	[tilespmem:s0+$0x0] =	vst v17  }
0x91: {  	v17 =	vld.idx.msk [tilespmem:v21+s24+$0x0], $0xffff  }
0x92: {  	v22 =	vor.u32 v4, v20;
	v21 =	vld.idx.msk [tilespmem:v21+s23+$0x0], $0xffff  }
0x93: {  	v23 =	vld.idx.msk [tilespmem:v19+s23+$0x0], $0xffff  }
0x94: {  	v44 =	vor.u32 v5, v20;
	v19 =	vld.idx.msk [tilespmem:v19+s24+$0x0], $0xffff  }
0x95: {  	v45 =	vld.idx.msk [tilespmem:v18+s23+$0x0], $0xffff  }
0x96: {  	v46 =	vor.u32 v6, v20;
	v18 =	vld.idx.msk [tilespmem:v18+s24+$0x0], $0xffff  }
0x97: {  	v47 =	vld.idx.msk [tilespmem:v22+s23+$0x0], $0xffff;
	v17 =	vmul.f32 v17, v21  }
0x98: {  	v21 =	vld.idx.msk [tilespmem:v22+s24+$0x0], $0xffff;
	v22 =	vor.u32 v8, v20  }
0x99: {  	v48 =	vld.idx.msk [tilespmem:v44+s23+$0x0], $0xffff;
	v19 =	vmul.f32 v19, v23;
	v17 =	vadd.f32 $0.0e+00, v17  }
0x9a: {  	v49 =	vor.u32 v9, v20;
	v23 =	vld.idx.msk [tilespmem:v44+s24+$0x0], $0xffff  }
0x9b: {  	v50 =	vld.idx.msk [tilespmem:v46+s23+$0x0], $0xffff;
	v18 =	vmul.f32 v18, v45;
	v17 =	vadd.f32 v19, v17  }
0x9c: {  	v51 =	vor.u32 v7, v20;
	v19 =	vld.idx.msk [tilespmem:v46+s24+$0x0], $0xffff  }
0x9d: {  	v52 =	vld.idx.msk [tilespmem:v22+s23+$0x0], $0xffff;
	v17 =	vadd.f32 v18, v17;
	v18 =	vmul.f32 v21, v47  }
0x9e: {  	v21 =	vld.idx.msk [tilespmem:v22+s24+$0x0], $0xffff;
	v22 =	vor.u32 v10, v20  }
0x9f: {  	v53 =	vld.idx.msk [tilespmem:v49+s23+$0x0], $0xffff;
	v17 =	vadd.f32 v18, v17;
	v18 =	vmul.f32 v23, v48  }
0xa0: {  	v54 =	vor.u32 v11, v20;
	v23 =	vld.idx.msk [tilespmem:v49+s24+$0x0], $0xffff  }
0xa1: {  	v55 =	vld.idx.msk [tilespmem:v51+s23+$0x0], $0xffff;
	v17 =	vadd.f32 v18, v17;
	v18 =	vmul.f32 v19, v50  }
0xa2: {  	v56 =	vor.u32 v12, v20;
	v19 =	vld.idx.msk [tilespmem:v51+s24+$0x0], $0xffff  }
0xa3: {  	v57 =	vld.idx.msk [tilespmem:v22+s23+$0x0], $0xffff;
	v17 =	vadd.f32 v18, v17;
	v18 =	vmul.f32 v21, v52  }
0xa4: {  	v21 =	vld.idx.msk [tilespmem:v22+s24+$0x0], $0xffff;
	v22 =	vor.u32 v13, v20  }
0xa5: {  	v58 =	vld.idx.msk [tilespmem:v54+s23+$0x0], $0xffff;
	v17 =	vadd.f32 v18, v17;
	v18 =	vmul.f32 v23, v53  }
0xa6: {  	v23 =	vld.idx.msk [tilespmem:v54+s24+$0x0], $0xffff  }
0xa7: {  	v60 =	vld.idx.msk [tilespmem:v56+s23+$0x0], $0xffff;
	v17 =	vadd.f32 v18, v17;
	v18 =	vmul.f32 v19, v55  }
0xa8: {  	v59 =	vor.u32 v14, v20;
	v19 =	vld.idx.msk [tilespmem:v56+s24+$0x0], $0xffff  }
0xa9: {  	v62 =	vld.idx.msk [tilespmem:v22+s23+$0x0], $0xffff;
	v17 =	vadd.f32 v18, v17;
	v18 =	vmul.f32 v21, v57  }
0xaa: {  	v61 =	vor.u32 v15, v20;
	v21 =	vld.idx.msk [tilespmem:v22+s24+$0x0], $0xffff  }
0xab: {  	v17 =	vadd.f32 v18, v17;
	v18 =	vmul.f32 v23, v58  }
0xac: {  	v20 =	vor.u32 v16, v20  }
0xad: {  	v22 =	vld.idx.msk [tilespmem:v59+s23+$0x0], $0xffff;
	v17 =	vadd.f32 v18, v17;
	v18 =	vmul.f32 v19, v60  }
0xae: {  	v23 =	vld.idx.msk [tilespmem:v59+s24+$0x0], $0xffff  }
0xaf: {  	v63 =	vld.idx.msk [tilespmem:v61+s23+$0x0], $0xffff;
	v17 =	vadd.f32 v18, v17;
	v18 =	vmul.f32 v21, v62  }
0xb0: {  	v25 =	vld.idx.msk [tilespmem:v61+s24+$0x0], $0xffff  }
0xb1: {  	v19 =	vadd.f32 v18, v17;
	v17 =	vld.idx.msk [tilespmem:v20+s23+$0x0], $0xffff  }
0xb2: {  	v18 =	vld.idx.msk [tilespmem:v20+s24+$0x0], $0xffff  }
0xb3: {  	s26 =	simm.s32 $0x20;
	v21 =	vmul.f32 v23, v22  }
0xb4: {  	v22 =	vmov s26  }
0xb5: {  	s28 =	simm.s32 $0x30;
	s26 =	simm.s32 $0x4400;
	v20 =	vshll.u32 v22, $0x4;
	v19 =	vadd.f32 v21, v19;
	v21 =	vmul.f32 v25, v63  }
.LBB2_2:
0xb6: {  	p0 =	sne.s32 s28, $0x1F0;
	v20 =	vor.u32 v1, v20  }
0xb7: {  	v17 =	vmul.f32 v18, v17;
	v22 =	vor.u32 v0, v20;
	v19 =	vadd.f32 v21, v19;
	_ =	sdelay $0x1  }
0xb8: {  	v18 =	vor.u32 v2, v20;
	v17 =	vadd.f32 v17, v19  }
0xb9: {  	s26 =	sadd.s32 $0x10, s26  }
0xba: {  	v19 =	vor.u32 v3, v20;
	[tilespmem:s26+$0x0] =	vst v17  }
0xbb: {  	v17 =	vld.idx.msk [tilespmem:v22+s24+$0x0], $0xffff  }
0xbc: {  	v21 =	vld.idx.msk [tilespmem:v22+s23+$0x0], $0xffff;
	v22 =	vor.u32 v4, v20  }
0xbd: {  	v23 =	vld.idx.msk [tilespmem:v18+s23+$0x0], $0xffff  }
0xbe: {  	v24 =	vor.u32 v5, v20;
	v18 =	vld.idx.msk [tilespmem:v18+s24+$0x0], $0xffff  }
0xbf: {  	v25 =	vld.idx.msk [tilespmem:v19+s23+$0x0], $0xffff  }
0xc0: {  	v26 =	vor.u32 v6, v20;
	v19 =	vld.idx.msk [tilespmem:v19+s24+$0x0], $0xffff  }
0xc1: {  	v27 =	vld.idx.msk [tilespmem:v22+s23+$0x0], $0xffff  }
0xc2: {  	v17 =	vmul.f32 v17, v21;
	v21 =	vld.idx.msk [tilespmem:v22+s24+$0x0], $0xffff;
	v22 =	vor.u32 v8, v20  }
0xc3: {  	v28 =	vld.idx.msk [tilespmem:v24+s23+$0x0], $0xffff  }
0xc4: {  	v17 =	vadd.f32 $0.0e+00, v17;
	v18 =	vmul.f32 v18, v23;
	v23 =	vld.idx.msk [tilespmem:v24+s24+$0x0], $0xffff;
	v24 =	vor.u32 v9, v20  }
0xc5: {  	v29 =	vld.idx.msk [tilespmem:v26+s23+$0x0], $0xffff  }
0xc6: {  	v17 =	vadd.f32 v18, v17;
	v18 =	vmul.f32 v19, v25;
	v25 =	vor.u32 v7, v20;
	v19 =	vld.idx.msk [tilespmem:v26+s24+$0x0], $0xffff  }
0xc7: {  	v26 =	vld.idx.msk [tilespmem:v22+s23+$0x0], $0xffff  }
0xc8: {  	v17 =	vadd.f32 v18, v17;
	v18 =	vmul.f32 v21, v27;
	v21 =	vld.idx.msk [tilespmem:v22+s24+$0x0], $0xffff;
	v22 =	vor.u32 v10, v20  }
0xc9: {  	v27 =	vld.idx.msk [tilespmem:v24+s23+$0x0], $0xffff  }
0xca: {  	v17 =	vadd.f32 v18, v17;
	v18 =	vmul.f32 v23, v28;
	v23 =	vld.idx.msk [tilespmem:v24+s24+$0x0], $0xffff;
	v24 =	vor.u32 v11, v20  }
0xcb: {  	v28 =	vld.idx.msk [tilespmem:v25+s23+$0x0], $0xffff  }
0xcc: {  	v17 =	vadd.f32 v18, v17;
	v18 =	vmul.f32 v19, v29;
	v19 =	vld.idx.msk [tilespmem:v25+s24+$0x0], $0xffff;
	v25 =	vor.u32 v12, v20  }
0xcd: {  	v29 =	vld.idx.msk [tilespmem:v22+s23+$0x0], $0xffff  }
0xce: {  	v17 =	vadd.f32 v18, v17;
	v18 =	vmul.f32 v21, v26;
	v21 =	vld.idx.msk [tilespmem:v22+s24+$0x0], $0xffff;
	v22 =	vor.u32 v13, v20  }
0xcf: {  	v26 =	vld.idx.msk [tilespmem:v24+s23+$0x0], $0xffff  }
0xd0: {  	v17 =	vadd.f32 v18, v17;
	v18 =	vmul.f32 v23, v27;
	v23 =	vld.idx.msk [tilespmem:v24+s24+$0x0], $0xffff;
	v24 =	vor.u32 v14, v20  }
0xd1: {  	v27 =	vld.idx.msk [tilespmem:v25+s23+$0x0], $0xffff  }
0xd2: {  	v17 =	vadd.f32 v18, v17;
	v18 =	vmul.f32 v19, v28;
	v19 =	vld.idx.msk [tilespmem:v25+s24+$0x0], $0xffff;
	v25 =	vor.u32 v15, v20  }
0xd3: {  	v28 =	vld.idx.msk [tilespmem:v22+s23+$0x0], $0xffff  }
0xd4: {  	v20 =	vor.u32 v16, v20;
	v17 =	vadd.f32 v18, v17;
	v18 =	vmul.f32 v21, v29;
	v21 =	vld.idx.msk [tilespmem:v22+s24+$0x0], $0xffff  }
0xd5: {  	v22 =	vld.idx.msk [tilespmem:v24+s23+$0x0], $0xffff  }
0xd6: {  	v17 =	vadd.f32 v18, v17;
	v18 =	vmul.f32 v23, v26;
	v23 =	vld.idx.msk [tilespmem:v24+s24+$0x0], $0xffff  }
0xd7: {  	v24 =	vld.idx.msk [tilespmem:v25+s23+$0x0], $0xffff  }
0xd8: {  	v18 =	vadd.f32 v18, v17;
	v19 =	vmul.f32 v19, v27;
	v25 =	vld.idx.msk [tilespmem:v25+s24+$0x0], $0xffff  }
0xd9: {  	v17 =	vld.idx.msk [tilespmem:v20+s23+$0x0], $0xffff  }
.Ltmp0:
0xda: {  	v19 =	vadd.f32 v19, v18;
	v21 =	vmul.f32 v21, v28;
	v18 =	vld.idx.msk [tilespmem:v20+s24+$0x0], $0xffff;
	(pc) =	sbr.rel @p0 .LBB2_2-.Ltmp0, $4  }
0xdb: {  	_ = 	snop  }
0xdc: {  	v19 =	vadd.f32 v21, v19;
	v21 =	vmul.f32 v23, v22  }
0xdd: {  	v20 =	vmov s28  }
0xde: {  	s28 =	sadd.s32 $0x10, s28;
	v20 =	vshll.u32 v20, $0x4;
	v19 =	vadd.f32 v21, v19;
	v21 =	vmul.f32 v25, v24  }
0xdf: {  	v20 =	vor.u32 v1, v20  }
0xe0: {  	v17 =	vmul.f32 v18, v17;
	v22 =	vor.u32 v0, v20;
	v19 =	vadd.f32 v21, v19;
	_ =	sdelay $0x1  }
0xe1: {  	v18 =	vor.u32 v2, v20;
	v17 =	vadd.f32 v17, v19  }
0xe2: {  	s26 =	sadd.s32 $0x10, s26  }
0xe3: {  	v19 =	vor.u32 v3, v20;
	[tilespmem:s26+$0x0] =	vst v17  }
0xe4: {  	v17 =	vld.idx.msk [tilespmem:v22+s24+$0x0], $0xffff  }
0xe5: {  	v36 =	vor.u32 v4, v20;
	v35 =	vld.idx.msk [tilespmem:v22+s23+$0x0], $0xffff  }
0xe6: {  	v23 =	vld.idx.msk [tilespmem:v18+s23+$0x0], $0xffff  }
0xe7: {  	v24 =	vor.u32 v5, v20;
	v18 =	vld.idx.msk [tilespmem:v18+s24+$0x0], $0xffff  }
0xe8: {  	v25 =	vld.idx.msk [tilespmem:v19+s23+$0x0], $0xffff  }
0xe9: {  	v26 =	vor.u32 v6, v20;
	v19 =	vld.idx.msk [tilespmem:v19+s24+$0x0], $0xffff  }
0xea: {  	v27 =	vld.idx.msk [tilespmem:v36+s23+$0x0], $0xffff;
	v17 =	vmul.f32 v17, v35  }
0xeb: {  	v38 =	vor.u32 v8, v20;
	v37 =	vld.idx.msk [tilespmem:v36+s24+$0x0], $0xffff  }
0xec: {  	v28 =	vld.idx.msk [tilespmem:v24+s23+$0x0], $0xffff;
	v18 =	vmul.f32 v18, v23;
	v17 =	vadd.f32 $0.0e+00, v17  }
0xed: {  	v40 =	vor.u32 v9, v20;
	v39 =	vld.idx.msk [tilespmem:v24+s24+$0x0], $0xffff  }
0xee: {  	v29 =	vld.idx.msk [tilespmem:v26+s23+$0x0], $0xffff;
	v17 =	vadd.f32 v18, v17;
	v18 =	vmul.f32 v19, v25  }
0xef: {  	v41 =	vor.u32 v7, v20;
	v19 =	vld.idx.msk [tilespmem:v26+s24+$0x0], $0xffff  }
0xf0: {  	v42 =	vld.idx.msk [tilespmem:v38+s23+$0x0], $0xffff;
	v17 =	vadd.f32 v18, v17;
	v18 =	vmul.f32 v37, v27  }
0xf1: {  	v44 =	vor.u32 v10, v20;
	v43 =	vld.idx.msk [tilespmem:v38+s24+$0x0], $0xffff  }
0xf2: {  	v45 =	vld.idx.msk [tilespmem:v40+s23+$0x0], $0xffff;
	v17 =	vadd.f32 v18, v17;
	v18 =	vmul.f32 v39, v28  }
0xf3: {  	v47 =	vor.u32 v11, v20;
	v46 =	vld.idx.msk [tilespmem:v40+s24+$0x0], $0xffff  }
0xf4: {  	v48 =	vld.idx.msk [tilespmem:v41+s23+$0x0], $0xffff;
	v17 =	vadd.f32 v18, v17;
	v18 =	vmul.f32 v19, v29  }
0xf5: {  	v49 =	vor.u32 v12, v20;
	v19 =	vld.idx.msk [tilespmem:v41+s24+$0x0], $0xffff  }
0xf6: {  	v50 =	vld.idx.msk [tilespmem:v44+s23+$0x0], $0xffff;
	v17 =	vadd.f32 v18, v17;
	v18 =	vmul.f32 v43, v42  }
0xf7: {  	v52 =	vor.u32 v13, v20;
	v51 =	vld.idx.msk [tilespmem:v44+s24+$0x0], $0xffff  }
0xf8: {  	v53 =	vld.idx.msk [tilespmem:v47+s23+$0x0], $0xffff;
	v17 =	vadd.f32 v18, v17;
	v18 =	vmul.f32 v46, v45  }
0xf9: {  	v55 =	vor.u32 v14, v20;
	v54 =	vld.idx.msk [tilespmem:v47+s24+$0x0], $0xffff  }
0xfa: {  	v56 =	vld.idx.msk [tilespmem:v49+s23+$0x0], $0xffff;
	v17 =	vadd.f32 v18, v17;
	v18 =	vmul.f32 v19, v48  }
0xfb: {  	v57 =	vor.u32 v15, v20;
	v19 =	vld.idx.msk [tilespmem:v49+s24+$0x0], $0xffff  }
0xfc: {  	v58 =	vld.idx.msk [tilespmem:v52+s23+$0x0], $0xffff;
	v17 =	vadd.f32 v18, v17;
	v18 =	vmul.f32 v51, v50  }
0xfd: {  	v20 =	vor.u32 v16, v20;
	v59 =	vld.idx.msk [tilespmem:v52+s24+$0x0], $0xffff  }
0xfe: {  	v60 =	vld.idx.msk [tilespmem:v55+s23+$0x0], $0xffff;
	v17 =	vadd.f32 v18, v17;
	v18 =	vmul.f32 v54, v53  }
0xff: {  	v61 =	vld.idx.msk [tilespmem:v55+s24+$0x0], $0xffff  }
0x100: {  	v62 =	vld.idx.msk [tilespmem:v57+s23+$0x0], $0xffff;
	v17 =	vadd.f32 v18, v17;
	v18 =	vmul.f32 v19, v56  }
0x101: {  	v19 =	vld.idx.msk [tilespmem:v57+s24+$0x0], $0xffff  }
0x102: {  	v63 =	vld.idx.msk [tilespmem:v20+s23+$0x0], $0xffff;
	v17 =	vadd.f32 v18, v17;
	v18 =	vmul.f32 v59, v58  }
0x103: {  	v20 =	vld.idx.msk [tilespmem:v20+s24+$0x0], $0xffff  }
0x104: {  	v17 =	vadd.f32 v18, v17;
	v18 =	vmul.f32 v61, v60;
	_ =	sdelay $0x1  }
0x105: {  	v17 =	vadd.f32 v18, v17;
	v18 =	vmul.f32 v19, v62;
	_ =	sdelay $0x1  }
0x106: {  	v17 =	vadd.f32 v18, v17;
	v18 =	vmul.f32 v20, v63;
	_ =	sdelay $0x1  }
0x107: {  	s25 =	sadd.s32 $0x1, s25;
	v17 =	vadd.f32 v18, v17  }
0x108: {  	p0 =	sne.s32 s25, s14;
	s26 =	sadd.s32 $0x10, s26  }
.Ltmp1:
0x109: {  	[tilespmem:s26+$0x0] =	vst v17;
	(pc) =	sbr.rel @p0 .LBB2_1-.Ltmp1, $4  }
0x10a: {  	[hbm4b:s13+s1] =	stream.linear.scatter [tilespmem:s0], [sflag:$0x2], $0x200, $0x38;
	[tilespmem:$0x4600] =	vst v63  }
0x10b: {  	_ =	swait.ge [sflag:s2], $0x200  }
0x10c: {  	[sflag:s2] =	ssyncset.done $0x0  }
0x10d: {  	[sflag:s2] =	ssyncadd.s32 $0xFFFFFE00  }
0x10e: {  	_ =	sfence.sel $0x180000  }
0x10f: {  	[bflag:$0x0] =	sbarrier.arrive $0xFFFF  }
0x110: {  	_ =	strace $0x90000047  }
0x111: {  	s0 =	stileid.u32;
	[bflag:$0x2] =	sbarrier.arrive $0xFFFF  }
0x112: {  	p0 =	sne.s32 s0, $0x0;
	s0 =	rddreg [dreg:$0x4]  }
0x113: {  	s0 =	sadd.s32 @!p0 $0x100000, s0  }
0x114: {  	[sflag:s0] =	ssyncadd.tile.s32 @!p0 $0x1;
	_ =	shalt  }
.Lfunc_end2:
_tile_overlayer_lowered:
.L_overlay_start_2:
0x115: {  	(tag) =	ssettag $0x2  }
0x116: {  	s0 =	rddreg [dreg:$0x0];
	s2 =	stileid.u32  }
0x117: {  	s1 =	rddreg [dreg:$0x1];
	p0 =	sne.s32 s2, $0x0  }
0x118: {  	s3 =	rddreg [dreg:$0x2];
	[bflag:$0x3] =	sbarrier.arrive $0xFFFF;
	s2 =	simm.s32 @!p0 $0x1C02  }
0x119: {  	[timem:s3], [sflag:s2] =	dma.local @!p0 [hbm:s0], s1  }
0x11a: {  	s0 =	simm.s32 @!p0 $0x2  }
0x11b: {  	_ =	swait.ge @!p0 [sflag:s0], s1  }
0x11c: {  	s1 =	ssub.s32 @!p0 $0x0, s1;
	[sflag:s0] =	ssyncset.done @!p0 $0x0  }
0x11d: {  	[sflag:s0] =	ssyncadd.s32 @!p0 s1  }
0x11e: {  	[bflag:$0x3] =	sbarrier.arrive $0xFFFF  }
0x11f: {  	_ =	shalt  }

</sc_bundles>
